<compile_context>
chip_gen: v7x
topology: tpu7x:2x2x1
jax: 0.10.2.dev20260603
libtpu: 0.0.44.dev20260713+nightly
codegen_flags: <defaults>
</compile_context>

<pallas_src>
import functools

import jax
import jax.numpy as jnp
from jax import lax
from jax.experimental import pallas as pl
from jax.experimental.pallas import tpu as pltpu
from jax.experimental.pallas import tpu_sc as plsc

N = 10000
E = 320000
D = 128
L = 3

NC = 2
NS = 16
NW = NC * NS
EDGES_PER_WORKER = E // NW
CHUNK = 64
CHUNKS_PER_WORKER = 160
PAD = CHUNKS_PER_WORKER * CHUNK - EDGES_PER_WORKER
DUMP = 8
ROWS_PER_SUB = 624
TAIL_ROW0 = 16 * ROWS_PER_SUB
TAIL_ROWS = N + DUMP - TAIL_ROW0


def _spmm_sc(h, idx2, zeros):
    mesh = plsc.VectorSubcoreMesh(core_axis_name="c", subcore_axis_name="s")

    @functools.partial(
        pl.kernel,
        out_type=jax.ShapeDtypeStruct((NC * N, D), jnp.float32),
        mesh=mesh,
        scratch_types=[
            pltpu.VMEM((CHUNKS_PER_WORKER, 2 * CHUNK), jnp.int32),
            pltpu.VMEM((CHUNK, D), jnp.float32),
            pltpu.VMEM((CHUNK, D), jnp.float32),
            pltpu.VMEM((CHUNK, D), jnp.float32),
            pltpu.VMEM_SHARED((N + DUMP, D), jnp.float32),
            pltpu.SemaphoreType.DMA,
            pltpu.SemaphoreType.DMA,
            pltpu.SemaphoreType.DMA,
            pltpu.SemaphoreType.DMA,
        ],
    )
    def spmm_kernel(h_hbm, idx_hbm, z_hbm, out_hbm,
                    combo_v, rows0, rows1, rows2, pooled_sh,
                    sem0, sem1, sem2, zsem):
        c = lax.axis_index("c")
        s = lax.axis_index("s")
        wid = s * NC + c

        row0 = s * ROWS_PER_SUB
        zcp = pltpu.async_copy(z_hbm.at[pl.ds(row0, ROWS_PER_SUB)],
                               pooled_sh.at[pl.ds(row0, ROWS_PER_SUB)], zsem)

        @pl.when(s == NS - 1)
        def _():
            pltpu.async_copy(z_hbm.at[pl.ds(TAIL_ROW0, TAIL_ROWS)],
                             pooled_sh.at[pl.ds(TAIL_ROW0, TAIL_ROWS)],
                             zsem).wait()

        cbase = wid * CHUNKS_PER_WORKER
        pltpu.sync_copy(idx_hbm.at[pl.ds(cbase, CHUNKS_PER_WORKER)], combo_v)
        zcp.wait()
        plsc.subcore_barrier()

        def gath(k, buf, sem):
            pltpu.async_copy(h_hbm.at[combo_v.at[k, pl.ds(0, CHUNK)]],
                             buf, sem)

        def gwait(k, buf, sem):
            pltpu.make_async_copy(h_hbm.at[combo_v.at[k, pl.ds(0, CHUNK)]],
                                  buf, sem).wait()

        def scat(k, buf):
            pltpu.sync_copy(buf,
                            pooled_sh.at[combo_v.at[k, pl.ds(CHUNK, CHUNK)]],
                            add=True)

        gath(0, rows0, sem0)
        gath(1, rows1, sem1)
        gath(2, rows2, sem2)

        @pl.loop(0, CHUNKS_PER_WORKER - 4, step=3)
        def _(k):
            gwait(k, rows0, sem0)
            scat(k, rows0)
            gath(k + 3, rows0, sem0)
            gwait(k + 1, rows1, sem1)
            scat(k + 1, rows1)
            gath(k + 4, rows1, sem1)
            gwait(k + 2, rows2, sem2)
            scat(k + 2, rows2)
            gath(k + 5, rows2, sem2)

        kl = CHUNKS_PER_WORKER - 4
        gwait(kl, rows0, sem0)
        scat(kl, rows0)
        gath(kl + 3, rows0, sem0)
        gwait(kl + 1, rows1, sem1)
        scat(kl + 1, rows1)
        gwait(kl + 2, rows2, sem2)
        scat(kl + 2, rows2)
        gwait(kl + 3, rows0, sem0)
        scat(kl + 3, rows0)

        plsc.subcore_barrier()

        pltpu.sync_copy(pooled_sh.at[pl.ds(row0, ROWS_PER_SUB)],
                        out_hbm.at[pl.ds(c * N + row0, ROWS_PER_SUB)])

        @pl.when(s == NS - 1)
        def _():
            pltpu.sync_copy(pooled_sh.at[pl.ds(TAIL_ROW0, N - TAIL_ROW0)],
                            out_hbm.at[pl.ds(c * N + TAIL_ROW0,
                                             N - TAIL_ROW0)])

    return spmm_kernel(h, idx2, zeros)


def _mlp_body(part_ref, h_ref, scale_ref, w1_ref, b1_ref, g1_ref, be1_ref,
              w2_ref, b2_ref, g2_ref, be2_ref, out_ref):
    out_ref[...] = part_ref[0] + part_ref[1] + scale_ref[0, 0] * h_ref[...]


def _mlp_tc(parts, h, scale, w1, b1, g1, be1, w2, b2, g2, be2):
    vmem = pl.BlockSpec(memory_space=pltpu.VMEM)
    smem = pl.BlockSpec(memory_space=pltpu.SMEM)
    return pl.pallas_call(
        _mlp_body,
        out_shape=jax.ShapeDtypeStruct((N, D), jnp.float32),
        in_specs=[vmem, vmem, smem, vmem, vmem, vmem, vmem,
                  vmem, vmem, vmem, vmem],
        out_specs=vmem,
    )(parts, h, scale, w1, b1, g1, be1, w2, b2, g2, be2)


def _pad_indices(edge_index):
    si = edge_index[0].astype(jnp.int32).reshape(NW, EDGES_PER_WORKER)
    di = edge_index[1].astype(jnp.int32).reshape(NW, EDGES_PER_WORKER)
    pad_pos = jnp.arange(PAD, dtype=jnp.int32)
    pad_s = jnp.broadcast_to((pad_pos * 37) % N, (NW, PAD))
    pad_d = jnp.broadcast_to(N + pad_pos % DUMP, (NW, PAD))
    s3 = jnp.concatenate([si, pad_s], 1).reshape(NW, CHUNKS_PER_WORKER, CHUNK)
    d3 = jnp.concatenate([di, pad_d], 1).reshape(NW, CHUNKS_PER_WORKER, CHUNK)
    return jnp.concatenate([s3, d3], 2).reshape(-1, 2 * CHUNK)


def kernel(x, edge_index, eps, W1, b1, bn1_g, bn1_b, W2, b2, bn2_g, bn2_b):
    idx2 = _pad_indices(edge_index)
    zeros = jnp.zeros((N + DUMP, D), jnp.float32)
    h = x
    for l in range(L):
        parts = _spmm_sc(h, idx2, zeros).reshape(NC, N, D)
        scale = (1.0 + eps[l]).reshape(1, 1)
        h = _mlp_tc(parts, h, scale,
                    W1[l], b1[l].reshape(1, D),
                    bn1_g[l].reshape(1, D), bn1_b[l].reshape(1, D),
                    W2[l], b2[l].reshape(1, D),
                    bn2_g[l].reshape(1, D), bn2_b[l].reshape(1, D))
    return h

# --- scband reference (transcript-rebuilt; emitter-appended) ---
"""Pipeline reference for scband-gin-info-max-reg-52183852647109 (READ-ONLY COPY).

The authoritative reference and input builder live on the scoring server;
editing this copy changes nothing except your own understanding.
"""

import jax, jax.numpy as jnp
import numpy as np

N = 10000
E = 320000
D = 128
L = 3


def _batchnorm(z, gamma, beta, eps=1e-5):
    mean = jnp.mean(z, axis=0, keepdims=True)
    var = jnp.var(z, axis=0, keepdims=True)
    return (z - mean) / jnp.sqrt(var + eps) * gamma + beta


def setup_inputs(seed: int = 0) -> dict:
    key = jax.random.key(seed)
    ks = jax.random.split(key, 12)
    x = jax.random.normal(ks[0], (N, D), dtype=jnp.float32)
    edge_index = jax.random.randint(ks[1], (2, E), 0, N, dtype=jnp.int64)
    eps = jnp.zeros((L,), dtype=jnp.float32)
    W1 = jax.random.normal(ks[2], (L, D, D), dtype=jnp.float32) * 0.05
    b1 = jnp.zeros((L, D), dtype=jnp.float32)
    bn1_g = jnp.ones((L, D), dtype=jnp.float32)
    bn1_b = jnp.zeros((L, D), dtype=jnp.float32)
    W2 = jax.random.normal(ks[3], (L, D, D), dtype=jnp.float32) * 0.05
    b2 = jnp.zeros((L, D), dtype=jnp.float32)
    bn2_g = jnp.ones((L, D), dtype=jnp.float32)
    bn2_b = jnp.zeros((L, D), dtype=jnp.float32)
    return {"x": x, "edge_index": edge_index, "eps": eps, "W1": W1, "b1": b1,
            "bn1_g": bn1_g, "bn1_b": bn1_b, "W2": W2, "b2": b2,
            "bn2_g": bn2_g, "bn2_b": bn2_b}


def reference(x, edge_index, eps, W1, b1, bn1_g, bn1_b, W2, b2, bn2_g, bn2_b):
    # GIN with learn_eps=True, neighbor_pooling_type='sum' (single graph in batch):
    # pooled = A @ h + (1+eps[layer]) * h ; then MLP(2 layers) -> BatchNorm -> ReLU.
    src = edge_index[0]
    dst = edge_index[1]
    h = x
    for l in range(L):
        msgs = jnp.take(h, src, axis=0)                     # gather (SparseCore)
        pooled = jnp.zeros_like(h).at[dst].add(msgs)        # scatter-add (spmm)
        pooled = pooled + (1.0 + eps[l]) * h
        # MLP (num_mlp_layers=2): linear -> BN -> ReLU -> linear
        z = pooled @ W1[l] + b1[l]
        z = _batchnorm(z, bn1_g[l], bn1_b[l])
        z = jax.nn.relu(z)
        z = z @ W2[l] + b2[l]
        # outer batch norm + relu (self.batch_norms[layer], self.relu)
        z = _batchnorm(z, bn2_g[l], bn2_b[l])
        h = jax.nn.relu(z)
    return h

if __name__ == "__main__":
    import jax
    _d = setup_inputs()
    print(jax.jit(kernel)(*tuple(_d.values())))

</pallas_src>

<mosaic_0001>
#map = affine_map<(d0, d1) -> (0, 0)>
module attributes {stable_mosaic.version = 14 : i64} {
  func.func @spmm_kernel(%arg0: i32, %arg1: i32, %arg2: memref<10000x128xf32, #tpu.memory_space<hbm>>, %arg3: memref<5120x128xi32, #tpu.memory_space<hbm>>, %arg4: memref<10008x128xf32, #tpu.memory_space<hbm>>, %arg5: memref<20000x128xf32, #tpu.memory_space<hbm>>, %arg6: memref<160x128xi32, #tpu.memory_space<vmem>>, %arg7: memref<64x128xf32, #tpu.memory_space<vmem>>, %arg8: memref<64x128xf32, #tpu.memory_space<vmem>>, %arg9: memref<64x128xf32, #tpu.memory_space<vmem>>, %arg10: memref<10008x128xf32, #tpu.memory_space<vmem_shared>>, %arg11: memref<!tpu.dma_semaphore, #tpu.memory_space<semaphore_mem>>, %arg12: memref<!tpu.dma_semaphore, #tpu.memory_space<semaphore_mem>>, %arg13: memref<!tpu.dma_semaphore, #tpu.memory_space<semaphore_mem>>, %arg14: memref<!tpu.dma_semaphore, #tpu.memory_space<semaphore_mem>>) attributes {dimension_semantics = [#tpu.dimension_semantics<core_parallel>, #tpu.dimension_semantics<subcore_parallel>], iteration_bounds = array<i64: 2, 16>, scalar_prefetch = 0 : i64, scratch_operands = 9 : i64, tpu.core_type = #tpu.core_type<sc_vector_subcore>, window_params = [{transform_indices = #map}, {transform_indices = #map}, {transform_indices = #map}, {transform_indices = #map}]} {
    %mul3A = arith.constant 2 : i32
    %mul3A_0 = arith.muli %arg1, %mul3A : i32
    %add3A = arith.addi %mul3A_0, %arg0 : i32
    %mul3A_1 = arith.constant 624 : i32
    %mul3A_2 = arith.muli %arg1, %mul3A_1 : i32
    %dma_start3A = arith.constant 0 : i32
    %dma_start3A_3 = tpu.memref_slice %arg10[%mul3A_2, %dma_start3A] : memref<10008x128xf32, #tpu.memory_space<vmem_shared>> -> memref<624x128xf32, #tpu.memory_space<vmem_shared>>
    %dma_start3A_4 = arith.constant 0 : i32
    %dma_start3A_5 = tpu.memref_slice %arg4[%mul3A_2, %dma_start3A_4] : memref<10008x128xf32, #tpu.memory_space<hbm>> -> memref<624x128xf32, #tpu.memory_space<hbm>>
    tpu.enqueue_dma source(%dma_start3A_5 : memref<624x128xf32, #tpu.memory_space<hbm>>) target(%dma_start3A_3 : memref<624x128xf32, #tpu.memory_space<vmem_shared>>) target_semaphore(%arg14 : memref<!tpu.dma_semaphore, #tpu.memory_space<semaphore_mem>>)
    %eq3A = arith.constant 15 : i32
    %eq3A_6 = arith.cmpi eq, %arg1, %eq3A : i32
    %convert_element_type3A = arith.extui %eq3A_6 : i1 to i32
    %cond3A = arith.constant 0 : i32
    %cond3A_7 = arith.cmpi ne, %convert_element_type3A, %cond3A : i32
    scf.if %cond3A_7 {
      %dma_start3A_85 = arith.constant 9984 : i32
      %dma_start3A_86 = arith.constant 0 : i32
      %dma_start3A_87 = tpu.memref_slice %arg10[%dma_start3A_85, %dma_start3A_86] : memref<10008x128xf32, #tpu.memory_space<vmem_shared>> -> memref<24x128xf32, #tpu.memory_space<vmem_shared>>
      %dma_start3A_88 = arith.constant 9984 : i32
      %dma_start3A_89 = arith.constant 0 : i32
      %dma_start3A_90 = tpu.memref_slice %arg4[%dma_start3A_88, %dma_start3A_89] : memref<10008x128xf32, #tpu.memory_space<hbm>> -> memref<24x128xf32, #tpu.memory_space<hbm>>
      tpu.enqueue_dma source(%dma_start3A_90 : memref<24x128xf32, #tpu.memory_space<hbm>>) target(%dma_start3A_87 : memref<24x128xf32, #tpu.memory_space<vmem_shared>>) target_semaphore(%arg14 : memref<!tpu.dma_semaphore, #tpu.memory_space<semaphore_mem>>)
      %dma_wait3A_91 = arith.constant 9984 : i32
      %dma_wait3A_92 = arith.constant 0 : i32
      %dma_wait3A_93 = tpu.memref_slice %arg10[%dma_wait3A_91, %dma_wait3A_92] : memref<10008x128xf32, #tpu.memory_space<vmem_shared>> -> memref<24x128xf32, #tpu.memory_space<vmem_shared>>
      %dma_wait3A_94 = arith.constant 9984 : i32
      %dma_wait3A_95 = arith.constant 0 : i32
      %dma_wait3A_96 = tpu.memref_slice %arg4[%dma_wait3A_94, %dma_wait3A_95] : memref<10008x128xf32, #tpu.memory_space<hbm>> -> memref<24x128xf32, #tpu.memory_space<hbm>>
      tpu.wait_dma2 semaphore(%arg14 : memref<!tpu.dma_semaphore, #tpu.memory_space<semaphore_mem>>) src(%dma_wait3A_96 : memref<24x128xf32, #tpu.memory_space<hbm>>) dst(%dma_wait3A_93 : memref<24x128xf32, #tpu.memory_space<vmem_shared>>)
    } else {
    }
    %mul3A_8 = arith.constant 160 : i32
    %mul3A_9 = arith.muli %add3A, %mul3A_8 : i32
    "tpu.region"() ({
      %run_scoped3A_85 = tpu.sem_alloc : memref<!tpu.dma_semaphore, #tpu.memory_space<semaphore_mem>>
      %dma_start3A_86 = arith.constant 0 : i32
      %dma_start3A_87 = tpu.memref_slice %arg3[%mul3A_9, %dma_start3A_86] : memref<5120x128xi32, #tpu.memory_space<hbm>> -> memref<160x128xi32, #tpu.memory_space<hbm>>
      %dma_start3A_88 = arith.constant 0 : i32
      %dma_start3A_89 = tpu.memref_slice %arg3[%mul3A_9, %dma_start3A_88] : memref<5120x128xi32, #tpu.memory_space<hbm>> -> memref<160x128xi32, #tpu.memory_space<hbm>>
      tpu.enqueue_dma source(%dma_start3A_89 : memref<160x128xi32, #tpu.memory_space<hbm>>) target(%arg6 : memref<160x128xi32, #tpu.memory_space<vmem>>) target_semaphore(%run_scoped3A_85 : memref<!tpu.dma_semaphore, #tpu.memory_space<semaphore_mem>>)
      %dma_wait3A_90 = arith.constant 0 : i32
      %dma_wait3A_91 = tpu.memref_slice %arg3[%mul3A_9, %dma_wait3A_90] : memref<5120x128xi32, #tpu.memory_space<hbm>> -> memref<160x128xi32, #tpu.memory_space<hbm>>
      %dma_wait3A_92 = arith.constant 0 : i32
      %dma_wait3A_93 = tpu.memref_slice %arg3[%mul3A_9, %dma_wait3A_92] : memref<5120x128xi32, #tpu.memory_space<hbm>> -> memref<160x128xi32, #tpu.memory_space<hbm>>
      tpu.wait_dma2 semaphore(%run_scoped3A_85 : memref<!tpu.dma_semaphore, #tpu.memory_space<semaphore_mem>>) src(%dma_wait3A_93 : memref<160x128xi32, #tpu.memory_space<hbm>>) dst(%arg6 : memref<160x128xi32, #tpu.memory_space<vmem>>)
      tpu.yield
    }) : () -> ()
    %dma_wait3A = arith.constant 0 : i32
    %dma_wait3A_10 = tpu.memref_slice %arg10[%mul3A_2, %dma_wait3A] : memref<10008x128xf32, #tpu.memory_space<vmem_shared>> -> memref<624x128xf32, #tpu.memory_space<vmem_shared>>
    %dma_wait3A_11 = arith.constant 0 : i32
    %dma_wait3A_12 = tpu.memref_slice %arg4[%mul3A_2, %dma_wait3A_11] : memref<10008x128xf32, #tpu.memory_space<hbm>> -> memref<624x128xf32, #tpu.memory_space<hbm>>
    tpu.wait_dma2 semaphore(%arg14 : memref<!tpu.dma_semaphore, #tpu.memory_space<semaphore_mem>>) src(%dma_wait3A_12 : memref<624x128xf32, #tpu.memory_space<hbm>>) dst(%dma_wait3A_10 : memref<624x128xf32, #tpu.memory_space<vmem_shared>>)
    %barrier3A = arith.constant 0 : index
    tpu.barrier barrier_id(%barrier3A)
    %dma_start3A_13 = arith.constant 0 : i32
    %dma_start3A_14 = arith.constant 0 : i32
    %dma_start3A_15 = tpu.memref_slice %arg6[%dma_start3A_13, %dma_start3A_14] : memref<160x128xi32, #tpu.memory_space<vmem>> -> memref<1x64xi32, #tpu.memory_space<vmem>>
    %dma_start3A_16 = tpu.memref_squeeze %dma_start3A_15 : memref<1x64xi32, #tpu.memory_space<vmem>> -> memref<64xi32, #tpu.memory_space<vmem>>
    %dma_start3A_17 = arith.constant 0 : i32
    %dma_start3A_18 = arith.constant 0 : i32
    %dma_start3A_19 = tpu.memref_slice %arg2[%dma_start3A_17, %dma_start3A_18] : memref<10000x128xf32, #tpu.memory_space<hbm>> -> memref<10000x128xf32, #tpu.memory_space<hbm>>
    tpu.enqueue_indirect_dma source(%dma_start3A_19 : memref<10000x128xf32, #tpu.memory_space<hbm>>) target(%arg7 : memref<64x128xf32, #tpu.memory_space<vmem>>) offsets(%dma_start3A_16 : memref<64xi32, #tpu.memory_space<vmem>>) semaphore(%arg11 : memref<!tpu.dma_semaphore, #tpu.memory_space<semaphore_mem>>)
    %dma_start3A_20 = arith.constant 1 : i32
    %dma_start3A_21 = arith.constant 0 : i32
    %dma_start3A_22 = tpu.memref_slice %arg6[%dma_start3A_20, %dma_start3A_21] : memref<160x128xi32, #tpu.memory_space<vmem>> -> memref<1x64xi32, #tpu.memory_space<vmem>>
    %dma_start3A_23 = tpu.memref_squeeze %dma_start3A_22 : memref<1x64xi32, #tpu.memory_space<vmem>> -> memref<64xi32, #tpu.memory_space<vmem>>
    %dma_start3A_24 = arith.constant 0 : i32
    %dma_start3A_25 = arith.constant 0 : i32
    %dma_start3A_26 = tpu.memref_slice %arg2[%dma_start3A_24, %dma_start3A_25] : memref<10000x128xf32, #tpu.memory_space<hbm>> -> memref<10000x128xf32, #tpu.memory_space<hbm>>
    tpu.enqueue_indirect_dma source(%dma_start3A_26 : memref<10000x128xf32, #tpu.memory_space<hbm>>) target(%arg8 : memref<64x128xf32, #tpu.memory_space<vmem>>) offsets(%dma_start3A_23 : memref<64xi32, #tpu.memory_space<vmem>>) semaphore(%arg12 : memref<!tpu.dma_semaphore, #tpu.memory_space<semaphore_mem>>)
    %dma_start3A_27 = arith.constant 2 : i32
    %dma_start3A_28 = arith.constant 0 : i32
    %dma_start3A_29 = tpu.memref_slice %arg6[%dma_start3A_27, %dma_start3A_28] : memref<160x128xi32, #tpu.memory_space<vmem>> -> memref<1x64xi32, #tpu.memory_space<vmem>>
    %dma_start3A_30 = tpu.memref_squeeze %dma_start3A_29 : memref<1x64xi32, #tpu.memory_space<vmem>> -> memref<64xi32, #tpu.memory_space<vmem>>
    %dma_start3A_31 = arith.constant 0 : i32
    %dma_start3A_32 = arith.constant 0 : i32
    %dma_start3A_33 = tpu.memref_slice %arg2[%dma_start3A_31, %dma_start3A_32] : memref<10000x128xf32, #tpu.memory_space<hbm>> -> memref<10000x128xf32, #tpu.memory_space<hbm>>
    tpu.enqueue_indirect_dma source(%dma_start3A_33 : memref<10000x128xf32, #tpu.memory_space<hbm>>) target(%arg9 : memref<64x128xf32, #tpu.memory_space<vmem>>) offsets(%dma_start3A_30 : memref<64xi32, #tpu.memory_space<vmem>>) semaphore(%arg13 : memref<!tpu.dma_semaphore, #tpu.memory_space<semaphore_mem>>)
    %scan3A = arith.constant 0 : i32
    %scan3A_34 = arith.constant 52 : i32
    %scan3A_35 = arith.addi %scan3A, %scan3A_34 : i32
    %scan3A_36 = arith.constant 1 : i32
    scf.for %scan3A_85 = %scan3A to %scan3A_35 step %scan3A_36  : i32 {
      %mul3A_86 = arith.constant 3 : i32
      %mul3A_87 = arith.muli %scan3A_85, %mul3A_86 : i32
      %add3A_88 = arith.constant 0 : i32
      %add3A_89 = arith.addi %add3A_88, %mul3A_87 : i32
      %dma_wait3A_90 = arith.constant 0 : i32
      %dma_wait3A_91 = tpu.memref_slice %arg6[%add3A_89, %dma_wait3A_90] : memref<160x128xi32, #tpu.memory_space<vmem>> -> memref<1x64xi32, #tpu.memory_space<vmem>>
      %dma_wait3A_92 = tpu.memref_squeeze %dma_wait3A_91 : memref<1x64xi32, #tpu.memory_space<vmem>> -> memref<64xi32, #tpu.memory_space<vmem>>
      %dma_wait3A_93 = arith.constant 0 : i32
      %dma_wait3A_94 = arith.constant 0 : i32
      %dma_wait3A_95 = tpu.memref_slice %arg2[%dma_wait3A_93, %dma_wait3A_94] : memref<10000x128xf32, #tpu.memory_space<hbm>> -> memref<10000x128xf32, #tpu.memory_space<hbm>>
      tpu.wait_indirect_dma semaphore(%arg11 : memref<!tpu.dma_semaphore, #tpu.memory_space<semaphore_mem>>) src(%dma_wait3A_95 : memref<10000x128xf32, #tpu.memory_space<hbm>>) dst(%arg7 : memref<64x128xf32, #tpu.memory_space<vmem>>)
      "tpu.region"() ({
        %run_scoped3A_140 = tpu.sem_alloc : memref<!tpu.dma_semaphore, #tpu.memory_space<semaphore_mem>>
        %dma_start3A_141 = arith.constant 64 : i32
        %dma_start3A_142 = tpu.memref_slice %arg6[%add3A_89, %dma_start3A_141] : memref<160x128xi32, #tpu.memory_space<vmem>> -> memref<1x64xi32, #tpu.memory_space<vmem>>
        %dma_start3A_143 = tpu.memref_squeeze %dma_start3A_142 : memref<1x64xi32, #tpu.memory_space<vmem>> -> memref<64xi32, #tpu.memory_space<vmem>>
        %dma_start3A_144 = arith.constant 0 : i32
        %dma_start3A_145 = arith.constant 0 : i32
        %dma_start3A_146 = tpu.memref_slice %arg10[%dma_start3A_144, %dma_start3A_145] : memref<10008x128xf32, #tpu.memory_space<vmem_shared>> -> memref<10008x128xf32, #tpu.memory_space<vmem_shared>>
        tpu.enqueue_indirect_dma source(%arg7 : memref<64x128xf32, #tpu.memory_space<vmem>>) target(%dma_start3A_146 : memref<10008x128xf32, #tpu.memory_space<vmem_shared>>) offsets(%dma_start3A_143 : memref<64xi32, #tpu.memory_space<vmem>>) semaphore(%run_scoped3A_140 : memref<!tpu.dma_semaphore, #tpu.memory_space<semaphore_mem>>) {add = true}
        %dma_wait3A_147 = arith.constant 64 : i32
        %dma_wait3A_148 = tpu.memref_slice %arg6[%add3A_89, %dma_wait3A_147] : memref<160x128xi32, #tpu.memory_space<vmem>> -> memref<1x64xi32, #tpu.memory_space<vmem>>
        %dma_wait3A_149 = tpu.memref_squeeze %dma_wait3A_148 : memref<1x64xi32, #tpu.memory_space<vmem>> -> memref<64xi32, #tpu.memory_space<vmem>>
        %dma_wait3A_150 = arith.constant 0 : i32
        %dma_wait3A_151 = arith.constant 0 : i32
        %dma_wait3A_152 = tpu.memref_slice %arg10[%dma_wait3A_150, %dma_wait3A_151] : memref<10008x128xf32, #tpu.memory_space<vmem_shared>> -> memref<10008x128xf32, #tpu.memory_space<vmem_shared>>
        tpu.wait_indirect_dma semaphore(%run_scoped3A_140 : memref<!tpu.dma_semaphore, #tpu.memory_space<semaphore_mem>>) src(%arg7 : memref<64x128xf32, #tpu.memory_space<vmem>>) dst(%dma_wait3A_152 : memref<10008x128xf32, #tpu.memory_space<vmem_shared>>)
        tpu.yield
      }) : () -> ()
      %add3A_96 = arith.constant 3 : i32
      %add3A_97 = arith.addi %add3A_89, %add3A_96 : i32
      %dma_start3A_98 = arith.constant 0 : i32
      %dma_start3A_99 = tpu.memref_slice %arg6[%add3A_97, %dma_start3A_98] : memref<160x128xi32, #tpu.memory_space<vmem>> -> memref<1x64xi32, #tpu.memory_space<vmem>>
      %dma_start3A_100 = tpu.memref_squeeze %dma_start3A_99 : memref<1x64xi32, #tpu.memory_space<vmem>> -> memref<64xi32, #tpu.memory_space<vmem>>
      %dma_start3A_101 = arith.constant 0 : i32
      %dma_start3A_102 = arith.constant 0 : i32
      %dma_start3A_103 = tpu.memref_slice %arg2[%dma_start3A_101, %dma_start3A_102] : memref<10000x128xf32, #tpu.memory_space<hbm>> -> memref<10000x128xf32, #tpu.memory_space<hbm>>
      tpu.enqueue_indirect_dma source(%dma_start3A_103 : memref<10000x128xf32, #tpu.memory_space<hbm>>) target(%arg7 : memref<64x128xf32, #tpu.memory_space<vmem>>) offsets(%dma_start3A_100 : memref<64xi32, #tpu.memory_space<vmem>>) semaphore(%arg11 : memref<!tpu.dma_semaphore, #tpu.memory_space<semaphore_mem>>)
      %add3A_104 = arith.constant 1 : i32
      %add3A_105 = arith.addi %add3A_89, %add3A_104 : i32
      %dma_wait3A_106 = arith.constant 0 : i32
      %dma_wait3A_107 = tpu.memref_slice %arg6[%add3A_105, %dma_wait3A_106] : memref<160x128xi32, #tpu.memory_space<vmem>> -> memref<1x64xi32, #tpu.memory_space<vmem>>
      %dma_wait3A_108 = tpu.memref_squeeze %dma_wait3A_107 : memref<1x64xi32, #tpu.memory_space<vmem>> -> memref<64xi32, #tpu.memory_space<vmem>>
      %dma_wait3A_109 = arith.constant 0 : i32
      %dma_wait3A_110 = arith.constant 0 : i32
      %dma_wait3A_111 = tpu.memref_slice %arg2[%dma_wait3A_109, %dma_wait3A_110] : memref<10000x128xf32, #tpu.memory_space<hbm>> -> memref<10000x128xf32, #tpu.memory_space<hbm>>
      tpu.wait_indirect_dma semaphore(%arg12 : memref<!tpu.dma_semaphore, #tpu.memory_space<semaphore_mem>>) src(%dma_wait3A_111 : memref<10000x128xf32, #tpu.memory_space<hbm>>) dst(%arg8 : memref<64x128xf32, #tpu.memory_space<vmem>>)
      %add3A_112 = arith.constant 1 : i32
      %add3A_113 = arith.addi %add3A_89, %add3A_112 : i32
      "tpu.region"() ({
        %run_scoped3A_140 = tpu.sem_alloc : memref<!tpu.dma_semaphore, #tpu.memory_space<semaphore_mem>>
        %dma_start3A_141 = arith.constant 64 : i32
        %dma_start3A_142 = tpu.memref_slice %arg6[%add3A_113, %dma_start3A_141] : memref<160x128xi32, #tpu.memory_space<vmem>> -> memref<1x64xi32, #tpu.memory_space<vmem>>
        %dma_start3A_143 = tpu.memref_squeeze %dma_start3A_142 : memref<1x64xi32, #tpu.memory_space<vmem>> -> memref<64xi32, #tpu.memory_space<vmem>>
        %dma_start3A_144 = arith.constant 0 : i32
        %dma_start3A_145 = arith.constant 0 : i32
        %dma_start3A_146 = tpu.memref_slice %arg10[%dma_start3A_144, %dma_start3A_145] : memref<10008x128xf32, #tpu.memory_space<vmem_shared>> -> memref<10008x128xf32, #tpu.memory_space<vmem_shared>>
        tpu.enqueue_indirect_dma source(%arg8 : memref<64x128xf32, #tpu.memory_space<vmem>>) target(%dma_start3A_146 : memref<10008x128xf32, #tpu.memory_space<vmem_shared>>) offsets(%dma_start3A_143 : memref<64xi32, #tpu.memory_space<vmem>>) semaphore(%run_scoped3A_140 : memref<!tpu.dma_semaphore, #tpu.memory_space<semaphore_mem>>) {add = true}
        %dma_wait3A_147 = arith.constant 64 : i32
        %dma_wait3A_148 = tpu.memref_slice %arg6[%add3A_113, %dma_wait3A_147] : memref<160x128xi32, #tpu.memory_space<vmem>> -> memref<1x64xi32, #tpu.memory_space<vmem>>
        %dma_wait3A_149 = tpu.memref_squeeze %dma_wait3A_148 : memref<1x64xi32, #tpu.memory_space<vmem>> -> memref<64xi32, #tpu.memory_space<vmem>>
        %dma_wait3A_150 = arith.constant 0 : i32
        %dma_wait3A_151 = arith.constant 0 : i32
        %dma_wait3A_152 = tpu.memref_slice %arg10[%dma_wait3A_150, %dma_wait3A_151] : memref<10008x128xf32, #tpu.memory_space<vmem_shared>> -> memref<10008x128xf32, #tpu.memory_space<vmem_shared>>
        tpu.wait_indirect_dma semaphore(%run_scoped3A_140 : memref<!tpu.dma_semaphore, #tpu.memory_space<semaphore_mem>>) src(%arg8 : memref<64x128xf32, #tpu.memory_space<vmem>>) dst(%dma_wait3A_152 : memref<10008x128xf32, #tpu.memory_space<vmem_shared>>)
        tpu.yield
      }) : () -> ()
      %add3A_114 = arith.constant 4 : i32
      %add3A_115 = arith.addi %add3A_89, %add3A_114 : i32
      %dma_start3A_116 = arith.constant 0 : i32
      %dma_start3A_117 = tpu.memref_slice %arg6[%add3A_115, %dma_start3A_116] : memref<160x128xi32, #tpu.memory_space<vmem>> -> memref<1x64xi32, #tpu.memory_space<vmem>>
      %dma_start3A_118 = tpu.memref_squeeze %dma_start3A_117 : memref<1x64xi32, #tpu.memory_space<vmem>> -> memref<64xi32, #tpu.memory_space<vmem>>
      %dma_start3A_119 = arith.constant 0 : i32
      %dma_start3A_120 = arith.constant 0 : i32
      %dma_start3A_121 = tpu.memref_slice %arg2[%dma_start3A_119, %dma_start3A_120] : memref<10000x128xf32, #tpu.memory_space<hbm>> -> memref<10000x128xf32, #tpu.memory_space<hbm>>
      tpu.enqueue_indirect_dma source(%dma_start3A_121 : memref<10000x128xf32, #tpu.memory_space<hbm>>) target(%arg8 : memref<64x128xf32, #tpu.memory_space<vmem>>) offsets(%dma_start3A_118 : memref<64xi32, #tpu.memory_space<vmem>>) semaphore(%arg12 : memref<!tpu.dma_semaphore, #tpu.memory_space<semaphore_mem>>)
      %add3A_122 = arith.constant 2 : i32
      %add3A_123 = arith.addi %add3A_89, %add3A_122 : i32
      %dma_wait3A_124 = arith.constant 0 : i32
      %dma_wait3A_125 = tpu.memref_slice %arg6[%add3A_123, %dma_wait3A_124] : memref<160x128xi32, #tpu.memory_space<vmem>> -> memref<1x64xi32, #tpu.memory_space<vmem>>
      %dma_wait3A_126 = tpu.memref_squeeze %dma_wait3A_125 : memref<1x64xi32, #tpu.memory_space<vmem>> -> memref<64xi32, #tpu.memory_space<vmem>>
      %dma_wait3A_127 = arith.constant 0 : i32
      %dma_wait3A_128 = arith.constant 0 : i32
      %dma_wait3A_129 = tpu.memref_slice %arg2[%dma_wait3A_127, %dma_wait3A_128] : memref<10000x128xf32, #tpu.memory_space<hbm>> -> memref<10000x128xf32, #tpu.memory_space<hbm>>
      tpu.wait_indirect_dma semaphore(%arg13 : memref<!tpu.dma_semaphore, #tpu.memory_space<semaphore_mem>>) src(%dma_wait3A_129 : memref<10000x128xf32, #tpu.memory_space<hbm>>) dst(%arg9 : memref<64x128xf32, #tpu.memory_space<vmem>>)
      %add3A_130 = arith.constant 2 : i32
      %add3A_131 = arith.addi %add3A_89, %add3A_130 : i32
      "tpu.region"() ({
        %run_scoped3A_140 = tpu.sem_alloc : memref<!tpu.dma_semaphore, #tpu.memory_space<semaphore_mem>>
        %dma_start3A_141 = arith.constant 64 : i32
        %dma_start3A_142 = tpu.memref_slice %arg6[%add3A_131, %dma_start3A_141] : memref<160x128xi32, #tpu.memory_space<vmem>> -> memref<1x64xi32, #tpu.memory_space<vmem>>
        %dma_start3A_143 = tpu.memref_squeeze %dma_start3A_142 : memref<1x64xi32, #tpu.memory_space<vmem>> -> memref<64xi32, #tpu.memory_space<vmem>>
        %dma_start3A_144 = arith.constant 0 : i32
        %dma_start3A_145 = arith.constant 0 : i32
        %dma_start3A_146 = tpu.memref_slice %arg10[%dma_start3A_144, %dma_start3A_145] : memref<10008x128xf32, #tpu.memory_space<vmem_shared>> -> memref<10008x128xf32, #tpu.memory_space<vmem_shared>>
        tpu.enqueue_indirect_dma source(%arg9 : memref<64x128xf32, #tpu.memory_space<vmem>>) target(%dma_start3A_146 : memref<10008x128xf32, #tpu.memory_space<vmem_shared>>) offsets(%dma_start3A_143 : memref<64xi32, #tpu.memory_space<vmem>>) semaphore(%run_scoped3A_140 : memref<!tpu.dma_semaphore, #tpu.memory_space<semaphore_mem>>) {add = true}
        %dma_wait3A_147 = arith.constant 64 : i32
        %dma_wait3A_148 = tpu.memref_slice %arg6[%add3A_131, %dma_wait3A_147] : memref<160x128xi32, #tpu.memory_space<vmem>> -> memref<1x64xi32, #tpu.memory_space<vmem>>
        %dma_wait3A_149 = tpu.memref_squeeze %dma_wait3A_148 : memref<1x64xi32, #tpu.memory_space<vmem>> -> memref<64xi32, #tpu.memory_space<vmem>>
        %dma_wait3A_150 = arith.constant 0 : i32
        %dma_wait3A_151 = arith.constant 0 : i32
        %dma_wait3A_152 = tpu.memref_slice %arg10[%dma_wait3A_150, %dma_wait3A_151] : memref<10008x128xf32, #tpu.memory_space<vmem_shared>> -> memref<10008x128xf32, #tpu.memory_space<vmem_shared>>
        tpu.wait_indirect_dma semaphore(%run_scoped3A_140 : memref<!tpu.dma_semaphore, #tpu.memory_space<semaphore_mem>>) src(%arg9 : memref<64x128xf32, #tpu.memory_space<vmem>>) dst(%dma_wait3A_152 : memref<10008x128xf32, #tpu.memory_space<vmem_shared>>)
        tpu.yield
      }) : () -> ()
      %add3A_132 = arith.constant 5 : i32
      %add3A_133 = arith.addi %add3A_89, %add3A_132 : i32
      %dma_start3A_134 = arith.constant 0 : i32
      %dma_start3A_135 = tpu.memref_slice %arg6[%add3A_133, %dma_start3A_134] : memref<160x128xi32, #tpu.memory_space<vmem>> -> memref<1x64xi32, #tpu.memory_space<vmem>>
      %dma_start3A_136 = tpu.memref_squeeze %dma_start3A_135 : memref<1x64xi32, #tpu.memory_space<vmem>> -> memref<64xi32, #tpu.memory_space<vmem>>
      %dma_start3A_137 = arith.constant 0 : i32
      %dma_start3A_138 = arith.constant 0 : i32
      %dma_start3A_139 = tpu.memref_slice %arg2[%dma_start3A_137, %dma_start3A_138] : memref<10000x128xf32, #tpu.memory_space<hbm>> -> memref<10000x128xf32, #tpu.memory_space<hbm>>
      tpu.enqueue_indirect_dma source(%dma_start3A_139 : memref<10000x128xf32, #tpu.memory_space<hbm>>) target(%arg9 : memref<64x128xf32, #tpu.memory_space<vmem>>) offsets(%dma_start3A_136 : memref<64xi32, #tpu.memory_space<vmem>>) semaphore(%arg13 : memref<!tpu.dma_semaphore, #tpu.memory_space<semaphore_mem>>)
    }
    %scan3A_37 = arith.constant 52 : i32
    %dma_wait3A_38 = arith.constant 156 : i32
    %dma_wait3A_39 = arith.constant 0 : i32
    %dma_wait3A_40 = tpu.memref_slice %arg6[%dma_wait3A_38, %dma_wait3A_39] : memref<160x128xi32, #tpu.memory_space<vmem>> -> memref<1x64xi32, #tpu.memory_space<vmem>>
    %dma_wait3A_41 = tpu.memref_squeeze %dma_wait3A_40 : memref<1x64xi32, #tpu.memory_space<vmem>> -> memref<64xi32, #tpu.memory_space<vmem>>
    %dma_wait3A_42 = arith.constant 0 : i32
    %dma_wait3A_43 = arith.constant 0 : i32
    %dma_wait3A_44 = tpu.memref_slice %arg2[%dma_wait3A_42, %dma_wait3A_43] : memref<10000x128xf32, #tpu.memory_space<hbm>> -> memref<10000x128xf32, #tpu.memory_space<hbm>>
    tpu.wait_indirect_dma semaphore(%arg11 : memref<!tpu.dma_semaphore, #tpu.memory_space<semaphore_mem>>) src(%dma_wait3A_44 : memref<10000x128xf32, #tpu.memory_space<hbm>>) dst(%arg7 : memref<64x128xf32, #tpu.memory_space<vmem>>)
    %run_scoped3A = arith.constant 156 : i32
    "tpu.region"() ({
      %run_scoped3A_85 = tpu.sem_alloc : memref<!tpu.dma_semaphore, #tpu.memory_space<semaphore_mem>>
      %dma_start3A_86 = arith.constant 64 : i32
      %dma_start3A_87 = tpu.memref_slice %arg6[%run_scoped3A, %dma_start3A_86] : memref<160x128xi32, #tpu.memory_space<vmem>> -> memref<1x64xi32, #tpu.memory_space<vmem>>
      %dma_start3A_88 = tpu.memref_squeeze %dma_start3A_87 : memref<1x64xi32, #tpu.memory_space<vmem>> -> memref<64xi32, #tpu.memory_space<vmem>>
      %dma_start3A_89 = arith.constant 0 : i32
      %dma_start3A_90 = arith.constant 0 : i32
      %dma_start3A_91 = tpu.memref_slice %arg10[%dma_start3A_89, %dma_start3A_90] : memref<10008x128xf32, #tpu.memory_space<vmem_shared>> -> memref<10008x128xf32, #tpu.memory_space<vmem_shared>>
      tpu.enqueue_indirect_dma source(%arg7 : memref<64x128xf32, #tpu.memory_space<vmem>>) target(%dma_start3A_91 : memref<10008x128xf32, #tpu.memory_space<vmem_shared>>) offsets(%dma_start3A_88 : memref<64xi32, #tpu.memory_space<vmem>>) semaphore(%run_scoped3A_85 : memref<!tpu.dma_semaphore, #tpu.memory_space<semaphore_mem>>) {add = true}
      %dma_wait3A_92 = arith.constant 64 : i32
      %dma_wait3A_93 = tpu.memref_slice %arg6[%run_scoped3A, %dma_wait3A_92] : memref<160x128xi32, #tpu.memory_space<vmem>> -> memref<1x64xi32, #tpu.memory_space<vmem>>
      %dma_wait3A_94 = tpu.memref_squeeze %dma_wait3A_93 : memref<1x64xi32, #tpu.memory_space<vmem>> -> memref<64xi32, #tpu.memory_space<vmem>>
      %dma_wait3A_95 = arith.constant 0 : i32
      %dma_wait3A_96 = arith.constant 0 : i32
      %dma_wait3A_97 = tpu.memref_slice %arg10[%dma_wait3A_95, %dma_wait3A_96] : memref<10008x128xf32, #tpu.memory_space<vmem_shared>> -> memref<10008x128xf32, #tpu.memory_space<vmem_shared>>
      tpu.wait_indirect_dma semaphore(%run_scoped3A_85 : memref<!tpu.dma_semaphore, #tpu.memory_space<semaphore_mem>>) src(%arg7 : memref<64x128xf32, #tpu.memory_space<vmem>>) dst(%dma_wait3A_97 : memref<10008x128xf32, #tpu.memory_space<vmem_shared>>)
      tpu.yield
    }) : () -> ()
    %dma_start3A_45 = arith.constant 159 : i32
    %dma_start3A_46 = arith.constant 0 : i32
    %dma_start3A_47 = tpu.memref_slice %arg6[%dma_start3A_45, %dma_start3A_46] : memref<160x128xi32, #tpu.memory_space<vmem>> -> memref<1x64xi32, #tpu.memory_space<vmem>>
    %dma_start3A_48 = tpu.memref_squeeze %dma_start3A_47 : memref<1x64xi32, #tpu.memory_space<vmem>> -> memref<64xi32, #tpu.memory_space<vmem>>
    %dma_start3A_49 = arith.constant 0 : i32
    %dma_start3A_50 = arith.constant 0 : i32
    %dma_start3A_51 = tpu.memref_slice %arg2[%dma_start3A_49, %dma_start3A_50] : memref<10000x128xf32, #tpu.memory_space<hbm>> -> memref<10000x128xf32, #tpu.memory_space<hbm>>
    tpu.enqueue_indirect_dma source(%dma_start3A_51 : memref<10000x128xf32, #tpu.memory_space<hbm>>) target(%arg7 : memref<64x128xf32, #tpu.memory_space<vmem>>) offsets(%dma_start3A_48 : memref<64xi32, #tpu.memory_space<vmem>>) semaphore(%arg11 : memref<!tpu.dma_semaphore, #tpu.memory_space<semaphore_mem>>)
    %dma_wait3A_52 = arith.constant 157 : i32
    %dma_wait3A_53 = arith.constant 0 : i32
    %dma_wait3A_54 = tpu.memref_slice %arg6[%dma_wait3A_52, %dma_wait3A_53] : memref<160x128xi32, #tpu.memory_space<vmem>> -> memref<1x64xi32, #tpu.memory_space<vmem>>
    %dma_wait3A_55 = tpu.memref_squeeze %dma_wait3A_54 : memref<1x64xi32, #tpu.memory_space<vmem>> -> memref<64xi32, #tpu.memory_space<vmem>>
    %dma_wait3A_56 = arith.constant 0 : i32
    %dma_wait3A_57 = arith.constant 0 : i32
    %dma_wait3A_58 = tpu.memref_slice %arg2[%dma_wait3A_56, %dma_wait3A_57] : memref<10000x128xf32, #tpu.memory_space<hbm>> -> memref<10000x128xf32, #tpu.memory_space<hbm>>
    tpu.wait_indirect_dma semaphore(%arg12 : memref<!tpu.dma_semaphore, #tpu.memory_space<semaphore_mem>>) src(%dma_wait3A_58 : memref<10000x128xf32, #tpu.memory_space<hbm>>) dst(%arg8 : memref<64x128xf32, #tpu.memory_space<vmem>>)
    %run_scoped3A_59 = arith.constant 157 : i32
    "tpu.region"() ({
      %run_scoped3A_85 = tpu.sem_alloc : memref<!tpu.dma_semaphore, #tpu.memory_space<semaphore_mem>>
      %dma_start3A_86 = arith.constant 64 : i32
      %dma_start3A_87 = tpu.memref_slice %arg6[%run_scoped3A_59, %dma_start3A_86] : memref<160x128xi32, #tpu.memory_space<vmem>> -> memref<1x64xi32, #tpu.memory_space<vmem>>
      %dma_start3A_88 = tpu.memref_squeeze %dma_start3A_87 : memref<1x64xi32, #tpu.memory_space<vmem>> -> memref<64xi32, #tpu.memory_space<vmem>>
      %dma_start3A_89 = arith.constant 0 : i32
      %dma_start3A_90 = arith.constant 0 : i32
      %dma_start3A_91 = tpu.memref_slice %arg10[%dma_start3A_89, %dma_start3A_90] : memref<10008x128xf32, #tpu.memory_space<vmem_shared>> -> memref<10008x128xf32, #tpu.memory_space<vmem_shared>>
      tpu.enqueue_indirect_dma source(%arg8 : memref<64x128xf32, #tpu.memory_space<vmem>>) target(%dma_start3A_91 : memref<10008x128xf32, #tpu.memory_space<vmem_shared>>) offsets(%dma_start3A_88 : memref<64xi32, #tpu.memory_space<vmem>>) semaphore(%run_scoped3A_85 : memref<!tpu.dma_semaphore, #tpu.memory_space<semaphore_mem>>) {add = true}
      %dma_wait3A_92 = arith.constant 64 : i32
      %dma_wait3A_93 = tpu.memref_slice %arg6[%run_scoped3A_59, %dma_wait3A_92] : memref<160x128xi32, #tpu.memory_space<vmem>> -> memref<1x64xi32, #tpu.memory_space<vmem>>
      %dma_wait3A_94 = tpu.memref_squeeze %dma_wait3A_93 : memref<1x64xi32, #tpu.memory_space<vmem>> -> memref<64xi32, #tpu.memory_space<vmem>>
      %dma_wait3A_95 = arith.constant 0 : i32
      %dma_wait3A_96 = arith.constant 0 : i32
      %dma_wait3A_97 = tpu.memref_slice %arg10[%dma_wait3A_95, %dma_wait3A_96] : memref<10008x128xf32, #tpu.memory_space<vmem_shared>> -> memref<10008x128xf32, #tpu.memory_space<vmem_shared>>
      tpu.wait_indirect_dma semaphore(%run_scoped3A_85 : memref<!tpu.dma_semaphore, #tpu.memory_space<semaphore_mem>>) src(%arg8 : memref<64x128xf32, #tpu.memory_space<vmem>>) dst(%dma_wait3A_97 : memref<10008x128xf32, #tpu.memory_space<vmem_shared>>)
      tpu.yield
    }) : () -> ()
    %dma_wait3A_60 = arith.constant 158 : i32
    %dma_wait3A_61 = arith.constant 0 : i32
    %dma_wait3A_62 = tpu.memref_slice %arg6[%dma_wait3A_60, %dma_wait3A_61] : memref<160x128xi32, #tpu.memory_space<vmem>> -> memref<1x64xi32, #tpu.memory_space<vmem>>
    %dma_wait3A_63 = tpu.memref_squeeze %dma_wait3A_62 : memref<1x64xi32, #tpu.memory_space<vmem>> -> memref<64xi32, #tpu.memory_space<vmem>>
    %dma_wait3A_64 = arith.constant 0 : i32
    %dma_wait3A_65 = arith.constant 0 : i32
    %dma_wait3A_66 = tpu.memref_slice %arg2[%dma_wait3A_64, %dma_wait3A_65] : memref<10000x128xf32, #tpu.memory_space<hbm>> -> memref<10000x128xf32, #tpu.memory_space<hbm>>
    tpu.wait_indirect_dma semaphore(%arg13 : memref<!tpu.dma_semaphore, #tpu.memory_space<semaphore_mem>>) src(%dma_wait3A_66 : memref<10000x128xf32, #tpu.memory_space<hbm>>) dst(%arg9 : memref<64x128xf32, #tpu.memory_space<vmem>>)
    %run_scoped3A_67 = arith.constant 158 : i32
    "tpu.region"() ({
      %run_scoped3A_85 = tpu.sem_alloc : memref<!tpu.dma_semaphore, #tpu.memory_space<semaphore_mem>>
      %dma_start3A_86 = arith.constant 64 : i32
      %dma_start3A_87 = tpu.memref_slice %arg6[%run_scoped3A_67, %dma_start3A_86] : memref<160x128xi32, #tpu.memory_space<vmem>> -> memref<1x64xi32, #tpu.memory_space<vmem>>
      %dma_start3A_88 = tpu.memref_squeeze %dma_start3A_87 : memref<1x64xi32, #tpu.memory_space<vmem>> -> memref<64xi32, #tpu.memory_space<vmem>>
      %dma_start3A_89 = arith.constant 0 : i32
      %dma_start3A_90 = arith.constant 0 : i32
      %dma_start3A_91 = tpu.memref_slice %arg10[%dma_start3A_89, %dma_start3A_90] : memref<10008x128xf32, #tpu.memory_space<vmem_shared>> -> memref<10008x128xf32, #tpu.memory_space<vmem_shared>>
      tpu.enqueue_indirect_dma source(%arg9 : memref<64x128xf32, #tpu.memory_space<vmem>>) target(%dma_start3A_91 : memref<10008x128xf32, #tpu.memory_space<vmem_shared>>) offsets(%dma_start3A_88 : memref<64xi32, #tpu.memory_space<vmem>>) semaphore(%run_scoped3A_85 : memref<!tpu.dma_semaphore, #tpu.memory_space<semaphore_mem>>) {add = true}
      %dma_wait3A_92 = arith.constant 64 : i32
      %dma_wait3A_93 = tpu.memref_slice %arg6[%run_scoped3A_67, %dma_wait3A_92] : memref<160x128xi32, #tpu.memory_space<vmem>> -> memref<1x64xi32, #tpu.memory_space<vmem>>
      %dma_wait3A_94 = tpu.memref_squeeze %dma_wait3A_93 : memref<1x64xi32, #tpu.memory_space<vmem>> -> memref<64xi32, #tpu.memory_space<vmem>>
      %dma_wait3A_95 = arith.constant 0 : i32
      %dma_wait3A_96 = arith.constant 0 : i32
      %dma_wait3A_97 = tpu.memref_slice %arg10[%dma_wait3A_95, %dma_wait3A_96] : memref<10008x128xf32, #tpu.memory_space<vmem_shared>> -> memref<10008x128xf32, #tpu.memory_space<vmem_shared>>
      tpu.wait_indirect_dma semaphore(%run_scoped3A_85 : memref<!tpu.dma_semaphore, #tpu.memory_space<semaphore_mem>>) src(%arg9 : memref<64x128xf32, #tpu.memory_space<vmem>>) dst(%dma_wait3A_97 : memref<10008x128xf32, #tpu.memory_space<vmem_shared>>)
      tpu.yield
    }) : () -> ()
    %dma_wait3A_68 = arith.constant 159 : i32
    %dma_wait3A_69 = arith.constant 0 : i32
    %dma_wait3A_70 = tpu.memref_slice %arg6[%dma_wait3A_68, %dma_wait3A_69] : memref<160x128xi32, #tpu.memory_space<vmem>> -> memref<1x64xi32, #tpu.memory_space<vmem>>
    %dma_wait3A_71 = tpu.memref_squeeze %dma_wait3A_70 : memref<1x64xi32, #tpu.memory_space<vmem>> -> memref<64xi32, #tpu.memory_space<vmem>>
    %dma_wait3A_72 = arith.constant 0 : i32
    %dma_wait3A_73 = arith.constant 0 : i32
    %dma_wait3A_74 = tpu.memref_slice %arg2[%dma_wait3A_72, %dma_wait3A_73] : memref<10000x128xf32, #tpu.memory_space<hbm>> -> memref<10000x128xf32, #tpu.memory_space<hbm>>
    tpu.wait_indirect_dma semaphore(%arg11 : memref<!tpu.dma_semaphore, #tpu.memory_space<semaphore_mem>>) src(%dma_wait3A_74 : memref<10000x128xf32, #tpu.memory_space<hbm>>) dst(%arg7 : memref<64x128xf32, #tpu.memory_space<vmem>>)
    %run_scoped3A_75 = arith.constant 159 : i32
    "tpu.region"() ({
      %run_scoped3A_85 = tpu.sem_alloc : memref<!tpu.dma_semaphore, #tpu.memory_space<semaphore_mem>>
      %dma_start3A_86 = arith.constant 64 : i32
      %dma_start3A_87 = tpu.memref_slice %arg6[%run_scoped3A_75, %dma_start3A_86] : memref<160x128xi32, #tpu.memory_space<vmem>> -> memref<1x64xi32, #tpu.memory_space<vmem>>
      %dma_start3A_88 = tpu.memref_squeeze %dma_start3A_87 : memref<1x64xi32, #tpu.memory_space<vmem>> -> memref<64xi32, #tpu.memory_space<vmem>>
      %dma_start3A_89 = arith.constant 0 : i32
      %dma_start3A_90 = arith.constant 0 : i32
      %dma_start3A_91 = tpu.memref_slice %arg10[%dma_start3A_89, %dma_start3A_90] : memref<10008x128xf32, #tpu.memory_space<vmem_shared>> -> memref<10008x128xf32, #tpu.memory_space<vmem_shared>>
      tpu.enqueue_indirect_dma source(%arg7 : memref<64x128xf32, #tpu.memory_space<vmem>>) target(%dma_start3A_91 : memref<10008x128xf32, #tpu.memory_space<vmem_shared>>) offsets(%dma_start3A_88 : memref<64xi32, #tpu.memory_space<vmem>>) semaphore(%run_scoped3A_85 : memref<!tpu.dma_semaphore, #tpu.memory_space<semaphore_mem>>) {add = true}
      %dma_wait3A_92 = arith.constant 64 : i32
      %dma_wait3A_93 = tpu.memref_slice %arg6[%run_scoped3A_75, %dma_wait3A_92] : memref<160x128xi32, #tpu.memory_space<vmem>> -> memref<1x64xi32, #tpu.memory_space<vmem>>
      %dma_wait3A_94 = tpu.memref_squeeze %dma_wait3A_93 : memref<1x64xi32, #tpu.memory_space<vmem>> -> memref<64xi32, #tpu.memory_space<vmem>>
      %dma_wait3A_95 = arith.constant 0 : i32
      %dma_wait3A_96 = arith.constant 0 : i32
      %dma_wait3A_97 = tpu.memref_slice %arg10[%dma_wait3A_95, %dma_wait3A_96] : memref<10008x128xf32, #tpu.memory_space<vmem_shared>> -> memref<10008x128xf32, #tpu.memory_space<vmem_shared>>
      tpu.wait_indirect_dma semaphore(%run_scoped3A_85 : memref<!tpu.dma_semaphore, #tpu.memory_space<semaphore_mem>>) src(%arg7 : memref<64x128xf32, #tpu.memory_space<vmem>>) dst(%dma_wait3A_97 : memref<10008x128xf32, #tpu.memory_space<vmem_shared>>)
      tpu.yield
    }) : () -> ()
    %barrier3A_76 = arith.constant 0 : index
    tpu.barrier barrier_id(%barrier3A_76)
    %mul3A_77 = arith.constant 10000 : i32
    %mul3A_78 = arith.muli %arg0, %mul3A_77 : i32
    %add3A_79 = arith.addi %mul3A_78, %mul3A_2 : i32
    "tpu.region"() ({
      %run_scoped3A_85 = tpu.sem_alloc : memref<!tpu.dma_semaphore, #tpu.memory_space<semaphore_mem>>
      %dma_start3A_86 = arith.constant 0 : i32
      %dma_start3A_87 = tpu.memref_slice %arg5[%add3A_79, %dma_start3A_86] : memref<20000x128xf32, #tpu.memory_space<hbm>> -> memref<624x128xf32, #tpu.memory_space<hbm>>
      %dma_start3A_88 = arith.constant 0 : i32
      %dma_start3A_89 = tpu.memref_slice %arg10[%mul3A_2, %dma_start3A_88] : memref<10008x128xf32, #tpu.memory_space<vmem_shared>> -> memref<624x128xf32, #tpu.memory_space<vmem_shared>>
      tpu.enqueue_dma source(%dma_start3A_89 : memref<624x128xf32, #tpu.memory_space<vmem_shared>>) target(%dma_start3A_87 : memref<624x128xf32, #tpu.memory_space<hbm>>) target_semaphore(%run_scoped3A_85 : memref<!tpu.dma_semaphore, #tpu.memory_space<semaphore_mem>>)
      %dma_wait3A_90 = arith.constant 0 : i32
      %dma_wait3A_91 = tpu.memref_slice %arg5[%add3A_79, %dma_wait3A_90] : memref<20000x128xf32, #tpu.memory_space<hbm>> -> memref<624x128xf32, #tpu.memory_space<hbm>>
      %dma_wait3A_92 = arith.constant 0 : i32
      %dma_wait3A_93 = tpu.memref_slice %arg10[%mul3A_2, %dma_wait3A_92] : memref<10008x128xf32, #tpu.memory_space<vmem_shared>> -> memref<624x128xf32, #tpu.memory_space<vmem_shared>>
      tpu.wait_dma2 semaphore(%run_scoped3A_85 : memref<!tpu.dma_semaphore, #tpu.memory_space<semaphore_mem>>) src(%dma_wait3A_93 : memref<624x128xf32, #tpu.memory_space<vmem_shared>>) dst(%dma_wait3A_91 : memref<624x128xf32, #tpu.memory_space<hbm>>)
      tpu.yield
    }) : () -> ()
    %eq3A_80 = arith.constant 15 : i32
    %eq3A_81 = arith.cmpi eq, %arg1, %eq3A_80 : i32
    %convert_element_type3A_82 = arith.extui %eq3A_81 : i1 to i32
    %cond3A_83 = arith.constant 0 : i32
    %cond3A_84 = arith.cmpi ne, %convert_element_type3A_82, %cond3A_83 : i32
    scf.if %cond3A_84 {
      %mul3A_85 = arith.constant 10000 : i32
      %mul3A_86 = arith.muli %arg0, %mul3A_85 : i32
      %add3A_87 = arith.constant 9984 : i32
      %add3A_88 = arith.addi %mul3A_86, %add3A_87 : i32
      "tpu.region"() ({
        %run_scoped3A_89 = tpu.sem_alloc : memref<!tpu.dma_semaphore, #tpu.memory_space<semaphore_mem>>
        %dma_start3A_90 = arith.constant 0 : i32
        %dma_start3A_91 = tpu.memref_slice %arg5[%add3A_88, %dma_start3A_90] : memref<20000x128xf32, #tpu.memory_space<hbm>> -> memref<16x128xf32, #tpu.memory_space<hbm>>
        %dma_start3A_92 = arith.constant 9984 : i32
        %dma_start3A_93 = arith.constant 0 : i32
        %dma_start3A_94 = tpu.memref_slice %arg10[%dma_start3A_92, %dma_start3A_93] : memref<10008x128xf32, #tpu.memory_space<vmem_shared>> -> memref<16x128xf32, #tpu.memory_space<vmem_shared>>
        tpu.enqueue_dma source(%dma_start3A_94 : memref<16x128xf32, #tpu.memory_space<vmem_shared>>) target(%dma_start3A_91 : memref<16x128xf32, #tpu.memory_space<hbm>>) target_semaphore(%run_scoped3A_89 : memref<!tpu.dma_semaphore, #tpu.memory_space<semaphore_mem>>)
        %dma_wait3A_95 = arith.constant 0 : i32
        %dma_wait3A_96 = tpu.memref_slice %arg5[%add3A_88, %dma_wait3A_95] : memref<20000x128xf32, #tpu.memory_space<hbm>> -> memref<16x128xf32, #tpu.memory_space<hbm>>
        %dma_wait3A_97 = arith.constant 9984 : i32
        %dma_wait3A_98 = arith.constant 0 : i32
        %dma_wait3A_99 = tpu.memref_slice %arg10[%dma_wait3A_97, %dma_wait3A_98] : memref<10008x128xf32, #tpu.memory_space<vmem_shared>> -> memref<16x128xf32, #tpu.memory_space<vmem_shared>>
        tpu.wait_dma2 semaphore(%run_scoped3A_89 : memref<!tpu.dma_semaphore, #tpu.memory_space<semaphore_mem>>) src(%dma_wait3A_99 : memref<16x128xf32, #tpu.memory_space<vmem_shared>>) dst(%dma_wait3A_96 : memref<16x128xf32, #tpu.memory_space<hbm>>)
        tpu.yield
      }) : () -> ()
    } else {
    }
    return
  }
}

#map = affine_map<(d0, d1) -> (0, 0)>
module attributes {stable_mosaic.version = 14 : i64} {
  func.func @spmm_kernel(%arg0: i32, %arg1: i32, %arg2: memref<10000x128xf32, #tpu.memory_space<hbm>>, %arg3: memref<5120x128xi32, #tpu.memory_space<hbm>>, %arg4: memref<10008x128xf32, #tpu.memory_space<hbm>>, %arg5: memref<20000x128xf32, #tpu.memory_space<hbm>>, %arg6: memref<160x128xi32, #tpu.memory_space<vmem>>, %arg7: memref<64x128xf32, #tpu.memory_space<vmem>>, %arg8: memref<64x128xf32, #tpu.memory_space<vmem>>, %arg9: memref<64x128xf32, #tpu.memory_space<vmem>>, %arg10: memref<10008x128xf32, #tpu.memory_space<vmem_shared>>, %arg11: memref<!tpu.dma_semaphore, #tpu.memory_space<semaphore_mem>>, %arg12: memref<!tpu.dma_semaphore, #tpu.memory_space<semaphore_mem>>, %arg13: memref<!tpu.dma_semaphore, #tpu.memory_space<semaphore_mem>>, %arg14: memref<!tpu.dma_semaphore, #tpu.memory_space<semaphore_mem>>) attributes {dimension_semantics = [#tpu.dimension_semantics<core_parallel>, #tpu.dimension_semantics<subcore_parallel>], iteration_bounds = array<i64: 2, 16>, scalar_prefetch = 0 : i64, scratch_operands = 9 : i64, tpu.core_type = #tpu.core_type<sc_vector_subcore>, window_params = [{transform_indices = #map}, {transform_indices = #map}, {transform_indices = #map}, {transform_indices = #map}]} {
    %mul3A = arith.constant 2 : i32
    %mul3A_0 = arith.muli %arg1, %mul3A : i32
    %add3A = arith.addi %mul3A_0, %arg0 : i32
    %mul3A_1 = arith.constant 624 : i32
    %mul3A_2 = arith.muli %arg1, %mul3A_1 : i32
    %dma_start3A = arith.constant 0 : i32
    %dma_start3A_3 = tpu.memref_slice %arg10[%mul3A_2, %dma_start3A] : memref<10008x128xf32, #tpu.memory_space<vmem_shared>> -> memref<624x128xf32, #tpu.memory_space<vmem_shared>>
    %dma_start3A_4 = arith.constant 0 : i32
    %dma_start3A_5 = tpu.memref_slice %arg4[%mul3A_2, %dma_start3A_4] : memref<10008x128xf32, #tpu.memory_space<hbm>> -> memref<624x128xf32, #tpu.memory_space<hbm>>
    tpu.enqueue_dma source(%dma_start3A_5 : memref<624x128xf32, #tpu.memory_space<hbm>>) target(%dma_start3A_3 : memref<624x128xf32, #tpu.memory_space<vmem_shared>>) target_semaphore(%arg14 : memref<!tpu.dma_semaphore, #tpu.memory_space<semaphore_mem>>)
    %eq3A = arith.constant 15 : i32
    %eq3A_6 = arith.cmpi eq, %arg1, %eq3A : i32
    %convert_element_type3A = arith.extui %eq3A_6 : i1 to i32
    %cond3A = arith.constant 0 : i32
    %cond3A_7 = arith.cmpi ne, %convert_element_type3A, %cond3A : i32
    scf.if %cond3A_7 {
      %dma_start3A_85 = arith.constant 9984 : i32
      %dma_start3A_86 = arith.constant 0 : i32
      %dma_start3A_87 = tpu.memref_slice %arg10[%dma_start3A_85, %dma_start3A_86] : memref<10008x128xf32, #tpu.memory_space<vmem_shared>> -> memref<24x128xf32, #tpu.memory_space<vmem_shared>>
      %dma_start3A_88 = arith.constant 9984 : i32
      %dma_start3A_89 = arith.constant 0 : i32
      %dma_start3A_90 = tpu.memref_slice %arg4[%dma_start3A_88, %dma_start3A_89] : memref<10008x128xf32, #tpu.memory_space<hbm>> -> memref<24x128xf32, #tpu.memory_space<hbm>>
      tpu.enqueue_dma source(%dma_start3A_90 : memref<24x128xf32, #tpu.memory_space<hbm>>) target(%dma_start3A_87 : memref<24x128xf32, #tpu.memory_space<vmem_shared>>) target_semaphore(%arg14 : memref<!tpu.dma_semaphore, #tpu.memory_space<semaphore_mem>>)
      %dma_wait3A_91 = arith.constant 9984 : i32
      %dma_wait3A_92 = arith.constant 0 : i32
      %dma_wait3A_93 = tpu.memref_slice %arg10[%dma_wait3A_91, %dma_wait3A_92] : memref<10008x128xf32, #tpu.memory_space<vmem_shared>> -> memref<24x128xf32, #tpu.memory_space<vmem_shared>>
      %dma_wait3A_94 = arith.constant 9984 : i32
      %dma_wait3A_95 = arith.constant 0 : i32
      %dma_wait3A_96 = tpu.memref_slice %arg4[%dma_wait3A_94, %dma_wait3A_95] : memref<10008x128xf32, #tpu.memory_space<hbm>> -> memref<24x128xf32, #tpu.memory_space<hbm>>
      tpu.wait_dma2 semaphore(%arg14 : memref<!tpu.dma_semaphore, #tpu.memory_space<semaphore_mem>>) src(%dma_wait3A_96 : memref<24x128xf32, #tpu.memory_space<hbm>>) dst(%dma_wait3A_93 : memref<24x128xf32, #tpu.memory_space<vmem_shared>>)
    } else {
    }
    %mul3A_8 = arith.constant 160 : i32
    %mul3A_9 = arith.muli %add3A, %mul3A_8 : i32
    "tpu.region"() ({
      %run_scoped3A_85 = tpu.sem_alloc : memref<!tpu.dma_semaphore, #tpu.memory_space<semaphore_mem>>
      %dma_start3A_86 = arith.constant 0 : i32
      %dma_start3A_87 = tpu.memref_slice %arg3[%mul3A_9, %dma_start3A_86] : memref<5120x128xi32, #tpu.memory_space<hbm>> -> memref<160x128xi32, #tpu.memory_space<hbm>>
      %dma_start3A_88 = arith.constant 0 : i32
      %dma_start3A_89 = tpu.memref_slice %arg3[%mul3A_9, %dma_start3A_88] : memref<5120x128xi32, #tpu.memory_space<hbm>> -> memref<160x128xi32, #tpu.memory_space<hbm>>
      tpu.enqueue_dma source(%dma_start3A_89 : memref<160x128xi32, #tpu.memory_space<hbm>>) target(%arg6 : memref<160x128xi32, #tpu.memory_space<vmem>>) target_semaphore(%run_scoped3A_85 : memref<!tpu.dma_semaphore, #tpu.memory_space<semaphore_mem>>)
      %dma_wait3A_90 = arith.constant 0 : i32
      %dma_wait3A_91 = tpu.memref_slice %arg3[%mul3A_9, %dma_wait3A_90] : memref<5120x128xi32, #tpu.memory_space<hbm>> -> memref<160x128xi32, #tpu.memory_space<hbm>>
      %dma_wait3A_92 = arith.constant 0 : i32
      %dma_wait3A_93 = tpu.memref_slice %arg3[%mul3A_9, %dma_wait3A_92] : memref<5120x128xi32, #tpu.memory_space<hbm>> -> memref<160x128xi32, #tpu.memory_space<hbm>>
      tpu.wait_dma2 semaphore(%run_scoped3A_85 : memref<!tpu.dma_semaphore, #tpu.memory_space<semaphore_mem>>) src(%dma_wait3A_93 : memref<160x128xi32, #tpu.memory_space<hbm>>) dst(%arg6 : memref<160x128xi32, #tpu.memory_space<vmem>>)
      tpu.yield
    }) : () -> ()
    %dma_wait3A = arith.constant 0 : i32
    %dma_wait3A_10 = tpu.memref_slice %arg10[%mul3A_2, %dma_wait3A] : memref<10008x128xf32, #tpu.memory_space<vmem_shared>> -> memref<624x128xf32, #tpu.memory_space<vmem_shared>>
    %dma_wait3A_11 = arith.constant 0 : i32
    %dma_wait3A_12 = tpu.memref_slice %arg4[%mul3A_2, %dma_wait3A_11] : memref<10008x128xf32, #tpu.memory_space<hbm>> -> memref<624x128xf32, #tpu.memory_space<hbm>>
    tpu.wait_dma2 semaphore(%arg14 : memref<!tpu.dma_semaphore, #tpu.memory_space<semaphore_mem>>) src(%dma_wait3A_12 : memref<624x128xf32, #tpu.memory_space<hbm>>) dst(%dma_wait3A_10 : memref<624x128xf32, #tpu.memory_space<vmem_shared>>)
    %barrier3A = arith.constant 0 : index
    tpu.barrier barrier_id(%barrier3A)
    %dma_start3A_13 = arith.constant 0 : i32
    %dma_start3A_14 = arith.constant 0 : i32
    %dma_start3A_15 = tpu.memref_slice %arg6[%dma_start3A_13, %dma_start3A_14] : memref<160x128xi32, #tpu.memory_space<vmem>> -> memref<1x64xi32, #tpu.memory_space<vmem>>
    %dma_start3A_16 = tpu.memref_squeeze %dma_start3A_15 : memref<1x64xi32, #tpu.memory_space<vmem>> -> memref<64xi32, #tpu.memory_space<vmem>>
    %dma_start3A_17 = arith.constant 0 : i32
    %dma_start3A_18 = arith.constant 0 : i32
    %dma_start3A_19 = tpu.memref_slice %arg2[%dma_start3A_17, %dma_start3A_18] : memref<10000x128xf32, #tpu.memory_space<hbm>> -> memref<10000x128xf32, #tpu.memory_space<hbm>>
    tpu.enqueue_indirect_dma source(%dma_start3A_19 : memref<10000x128xf32, #tpu.memory_space<hbm>>) target(%arg7 : memref<64x128xf32, #tpu.memory_space<vmem>>) offsets(%dma_start3A_16 : memref<64xi32, #tpu.memory_space<vmem>>) semaphore(%arg11 : memref<!tpu.dma_semaphore, #tpu.memory_space<semaphore_mem>>)
    %dma_start3A_20 = arith.constant 1 : i32
    %dma_start3A_21 = arith.constant 0 : i32
    %dma_start3A_22 = tpu.memref_slice %arg6[%dma_start3A_20, %dma_start3A_21] : memref<160x128xi32, #tpu.memory_space<vmem>> -> memref<1x64xi32, #tpu.memory_space<vmem>>
    %dma_start3A_23 = tpu.memref_squeeze %dma_start3A_22 : memref<1x64xi32, #tpu.memory_space<vmem>> -> memref<64xi32, #tpu.memory_space<vmem>>
    %dma_start3A_24 = arith.constant 0 : i32
    %dma_start3A_25 = arith.constant 0 : i32
    %dma_start3A_26 = tpu.memref_slice %arg2[%dma_start3A_24, %dma_start3A_25] : memref<10000x128xf32, #tpu.memory_space<hbm>> -> memref<10000x128xf32, #tpu.memory_space<hbm>>
    tpu.enqueue_indirect_dma source(%dma_start3A_26 : memref<10000x128xf32, #tpu.memory_space<hbm>>) target(%arg8 : memref<64x128xf32, #tpu.memory_space<vmem>>) offsets(%dma_start3A_23 : memref<64xi32, #tpu.memory_space<vmem>>) semaphore(%arg12 : memref<!tpu.dma_semaphore, #tpu.memory_space<semaphore_mem>>)
    %dma_start3A_27 = arith.constant 2 : i32
    %dma_start3A_28 = arith.constant 0 : i32
    %dma_start3A_29 = tpu.memref_slice %arg6[%dma_start3A_27, %dma_start3A_28] : memref<160x128xi32, #tpu.memory_space<vmem>> -> memref<1x64xi32, #tpu.memory_space<vmem>>
    %dma_start3A_30 = tpu.memref_squeeze %dma_start3A_29 : memref<1x64xi32, #tpu.memory_space<vmem>> -> memref<64xi32, #tpu.memory_space<vmem>>
    %dma_start3A_31 = arith.constant 0 : i32
    %dma_start3A_32 = arith.constant 0 : i32
    %dma_start3A_33 = tpu.memref_slice %arg2[%dma_start3A_31, %dma_start3A_32] : memref<10000x128xf32, #tpu.memory_space<hbm>> -> memref<10000x128xf32, #tpu.memory_space<hbm>>
    tpu.enqueue_indirect_dma source(%dma_start3A_33 : memref<10000x128xf32, #tpu.memory_space<hbm>>) target(%arg9 : memref<64x128xf32, #tpu.memory_space<vmem>>) offsets(%dma_start3A_30 : memref<64xi32, #tpu.memory_space<vmem>>) semaphore(%arg13 : memref<!tpu.dma_semaphore, #tpu.memory_space<semaphore_mem>>)
    %scan3A = arith.constant 0 : i32
    %scan3A_34 = arith.constant 52 : i32
    %scan3A_35 = arith.addi %scan3A, %scan3A_34 : i32
    %scan3A_36 = arith.constant 1 : i32
    scf.for %scan3A_85 = %scan3A to %scan3A_35 step %scan3A_36  : i32 {
      %mul3A_86 = arith.constant 3 : i32
      %mul3A_87 = arith.muli %scan3A_85, %mul3A_86 : i32
      %add3A_88 = arith.constant 0 : i32
      %add3A_89 = arith.addi %add3A_88, %mul3A_87 : i32
      %dma_wait3A_90 = arith.constant 0 : i32
      %dma_wait3A_91 = tpu.memref_slice %arg6[%add3A_89, %dma_wait3A_90] : memref<160x128xi32, #tpu.memory_space<vmem>> -> memref<1x64xi32, #tpu.memory_space<vmem>>
      %dma_wait3A_92 = tpu.memref_squeeze %dma_wait3A_91 : memref<1x64xi32, #tpu.memory_space<vmem>> -> memref<64xi32, #tpu.memory_space<vmem>>
      %dma_wait3A_93 = arith.constant 0 : i32
      %dma_wait3A_94 = arith.constant 0 : i32
      %dma_wait3A_95 = tpu.memref_slice %arg2[%dma_wait3A_93, %dma_wait3A_94] : memref<10000x128xf32, #tpu.memory_space<hbm>> -> memref<10000x128xf32, #tpu.memory_space<hbm>>
      tpu.wait_indirect_dma semaphore(%arg11 : memref<!tpu.dma_semaphore, #tpu.memory_space<semaphore_mem>>) src(%dma_wait3A_95 : memref<10000x128xf32, #tpu.memory_space<hbm>>) dst(%arg7 : memref<64x128xf32, #tpu.memory_space<vmem>>)
      "tpu.region"() ({
        %run_scoped3A_140 = tpu.sem_alloc : memref<!tpu.dma_semaphore, #tpu.memory_space<semaphore_mem>>
        %dma_start3A_141 = arith.constant 64 : i32
        %dma_start3A_142 = tpu.memref_slice %arg6[%add3A_89, %dma_start3A_141] : memref<160x128xi32, #tpu.memory_space<vmem>> -> memref<1x64xi32, #tpu.memory_space<vmem>>
        %dma_start3A_143 = tpu.memref_squeeze %dma_start3A_142 : memref<1x64xi32, #tpu.memory_space<vmem>> -> memref<64xi32, #tpu.memory_space<vmem>>
        %dma_start3A_144 = arith.constant 0 : i32
        %dma_start3A_145 = arith.constant 0 : i32
        %dma_start3A_146 = tpu.memref_slice %arg10[%dma_start3A_144, %dma_start3A_145] : memref<10008x128xf32, #tpu.memory_space<vmem_shared>> -> memref<10008x128xf32, #tpu.memory_space<vmem_shared>>
        tpu.enqueue_indirect_dma source(%arg7 : memref<64x128xf32, #tpu.memory_space<vmem>>) target(%dma_start3A_146 : memref<10008x128xf32, #tpu.memory_space<vmem_shared>>) offsets(%dma_start3A_143 : memref<64xi32, #tpu.memory_space<vmem>>) semaphore(%run_scoped3A_140 : memref<!tpu.dma_semaphore, #tpu.memory_space<semaphore_mem>>) {add = true}
        %dma_wait3A_147 = arith.constant 64 : i32
        %dma_wait3A_148 = tpu.memref_slice %arg6[%add3A_89, %dma_wait3A_147] : memref<160x128xi32, #tpu.memory_space<vmem>> -> memref<1x64xi32, #tpu.memory_space<vmem>>
        %dma_wait3A_149 = tpu.memref_squeeze %dma_wait3A_148 : memref<1x64xi32, #tpu.memory_space<vmem>> -> memref<64xi32, #tpu.memory_space<vmem>>
        %dma_wait3A_150 = arith.constant 0 : i32
        %dma_wait3A_151 = arith.constant 0 : i32
        %dma_wait3A_152 = tpu.memref_slice %arg10[%dma_wait3A_150, %dma_wait3A_151] : memref<10008x128xf32, #tpu.memory_space<vmem_shared>> -> memref<10008x128xf32, #tpu.memory_space<vmem_shared>>
        tpu.wait_indirect_dma semaphore(%run_scoped3A_140 : memref<!tpu.dma_semaphore, #tpu.memory_space<semaphore_mem>>) src(%arg7 : memref<64x128xf32, #tpu.memory_space<vmem>>) dst(%dma_wait3A_152 : memref<10008x128xf32, #tpu.memory_space<vmem_shared>>)
        tpu.yield
      }) : () -> ()
      %add3A_96 = arith.constant 3 : i32
      %add3A_97 = arith.addi %add3A_89, %add3A_96 : i32
      %dma_start3A_98 = arith.constant 0 : i32
      %dma_start3A_99 = tpu.memref_slice %arg6[%add3A_97, %dma_start3A_98] : memref<160x128xi32, #tpu.memory_space<vmem>> -> memref<1x64xi32, #tpu.memory_space<vmem>>
      %dma_start3A_100 = tpu.memref_squeeze %dma_start3A_99 : memref<1x64xi32, #tpu.memory_space<vmem>> -> memref<64xi32, #tpu.memory_space<vmem>>
      %dma_start3A_101 = arith.constant 0 : i32
      %dma_start3A_102 = arith.constant 0 : i32
      %dma_start3A_103 = tpu.memref_slice %arg2[%dma_start3A_101, %dma_start3A_102] : memref<10000x128xf32, #tpu.memory_space<hbm>> -> memref<10000x128xf32, #tpu.memory_space<hbm>>
      tpu.enqueue_indirect_dma source(%dma_start3A_103 : memref<10000x128xf32, #tpu.memory_space<hbm>>) target(%arg7 : memref<64x128xf32, #tpu.memory_space<vmem>>) offsets(%dma_start3A_100 : memref<64xi32, #tpu.memory_space<vmem>>) semaphore(%arg11 : memref<!tpu.dma_semaphore, #tpu.memory_space<semaphore_mem>>)
      %add3A_104 = arith.constant 1 : i32
      %add3A_105 = arith.addi %add3A_89, %add3A_104 : i32
      %dma_wait3A_106 = arith.constant 0 : i32
      %dma_wait3A_107 = tpu.memref_slice %arg6[%add3A_105, %dma_wait3A_106] : memref<160x128xi32, #tpu.memory_space<vmem>> -> memref<1x64xi32, #tpu.memory_space<vmem>>
      %dma_wait3A_108 = tpu.memref_squeeze %dma_wait3A_107 : memref<1x64xi32, #tpu.memory_space<vmem>> -> memref<64xi32, #tpu.memory_space<vmem>>
      %dma_wait3A_109 = arith.constant 0 : i32
      %dma_wait3A_110 = arith.constant 0 : i32
      %dma_wait3A_111 = tpu.memref_slice %arg2[%dma_wait3A_109, %dma_wait3A_110] : memref<10000x128xf32, #tpu.memory_space<hbm>> -> memref<10000x128xf32, #tpu.memory_space<hbm>>
      tpu.wait_indirect_dma semaphore(%arg12 : memref<!tpu.dma_semaphore, #tpu.memory_space<semaphore_mem>>) src(%dma_wait3A_111 : memref<10000x128xf32, #tpu.memory_space<hbm>>) dst(%arg8 : memref<64x128xf32, #tpu.memory_space<vmem>>)
      %add3A_112 = arith.constant 1 : i32
      %add3A_113 = arith.addi %add3A_89, %add3A_112 : i32
      "tpu.region"() ({
        %run_scoped3A_140 = tpu.sem_alloc : memref<!tpu.dma_semaphore, #tpu.memory_space<semaphore_mem>>
        %dma_start3A_141 = arith.constant 64 : i32
        %dma_start3A_142 = tpu.memref_slice %arg6[%add3A_113, %dma_start3A_141] : memref<160x128xi32, #tpu.memory_space<vmem>> -> memref<1x64xi32, #tpu.memory_space<vmem>>
        %dma_start3A_143 = tpu.memref_squeeze %dma_start3A_142 : memref<1x64xi32, #tpu.memory_space<vmem>> -> memref<64xi32, #tpu.memory_space<vmem>>
        %dma_start3A_144 = arith.constant 0 : i32
        %dma_start3A_145 = arith.constant 0 : i32
        %dma_start3A_146 = tpu.memref_slice %arg10[%dma_start3A_144, %dma_start3A_145] : memref<10008x128xf32, #tpu.memory_space<vmem_shared>> -> memref<10008x128xf32, #tpu.memory_space<vmem_shared>>
        tpu.enqueue_indirect_dma source(%arg8 : memref<64x128xf32, #tpu.memory_space<vmem>>) target(%dma_start3A_146 : memref<10008x128xf32, #tpu.memory_space<vmem_shared>>) offsets(%dma_start3A_143 : memref<64xi32, #tpu.memory_space<vmem>>) semaphore(%run_scoped3A_140 : memref<!tpu.dma_semaphore, #tpu.memory_space<semaphore_mem>>) {add = true}
        %dma_wait3A_147 = arith.constant 64 : i32
        %dma_wait3A_148 = tpu.memref_slice %arg6[%add3A_113, %dma_wait3A_147] : memref<160x128xi32, #tpu.memory_space<vmem>> -> memref<1x64xi32, #tpu.memory_space<vmem>>
        %dma_wait3A_149 = tpu.memref_squeeze %dma_wait3A_148 : memref<1x64xi32, #tpu.memory_space<vmem>> -> memref<64xi32, #tpu.memory_space<vmem>>
        %dma_wait3A_150 = arith.constant 0 : i32
        %dma_wait3A_151 = arith.constant 0 : i32
        %dma_wait3A_152 = tpu.memref_slice %arg10[%dma_wait3A_150, %dma_wait3A_151] : memref<10008x128xf32, #tpu.memory_space<vmem_shared>> -> memref<10008x128xf32, #tpu.memory_space<vmem_shared>>
        tpu.wait_indirect_dma semaphore(%run_scoped3A_140 : memref<!tpu.dma_semaphore, #tpu.memory_space<semaphore_mem>>) src(%arg8 : memref<64x128xf32, #tpu.memory_space<vmem>>) dst(%dma_wait3A_152 : memref<10008x128xf32, #tpu.memory_space<vmem_shared>>)
        tpu.yield
      }) : () -> ()
      %add3A_114 = arith.constant 4 : i32
      %add3A_115 = arith.addi %add3A_89, %add3A_114 : i32
      %dma_start3A_116 = arith.constant 0 : i32
      %dma_start3A_117 = tpu.memref_slice %arg6[%add3A_115, %dma_start3A_116] : memref<160x128xi32, #tpu.memory_space<vmem>> -> memref<1x64xi32, #tpu.memory_space<vmem>>
      %dma_start3A_118 = tpu.memref_squeeze %dma_start3A_117 : memref<1x64xi32, #tpu.memory_space<vmem>> -> memref<64xi32, #tpu.memory_space<vmem>>
      %dma_start3A_119 = arith.constant 0 : i32
      %dma_start3A_120 = arith.constant 0 : i32
      %dma_start3A_121 = tpu.memref_slice %arg2[%dma_start3A_119, %dma_start3A_120] : memref<10000x128xf32, #tpu.memory_space<hbm>> -> memref<10000x128xf32, #tpu.memory_space<hbm>>
      tpu.enqueue_indirect_dma source(%dma_start3A_121 : memref<10000x128xf32, #tpu.memory_space<hbm>>) target(%arg8 : memref<64x128xf32, #tpu.memory_space<vmem>>) offsets(%dma_start3A_118 : memref<64xi32, #tpu.memory_space<vmem>>) semaphore(%arg12 : memref<!tpu.dma_semaphore, #tpu.memory_space<semaphore_mem>>)
      %add3A_122 = arith.constant 2 : i32
      %add3A_123 = arith.addi %add3A_89, %add3A_122 : i32
      %dma_wait3A_124 = arith.constant 0 : i32
      %dma_wait3A_125 = tpu.memref_slice %arg6[%add3A_123, %dma_wait3A_124] : memref<160x128xi32, #tpu.memory_space<vmem>> -> memref<1x64xi32, #tpu.memory_space<vmem>>
      %dma_wait3A_126 = tpu.memref_squeeze %dma_wait3A_125 : memref<1x64xi32, #tpu.memory_space<vmem>> -> memref<64xi32, #tpu.memory_space<vmem>>
      %dma_wait3A_127 = arith.constant 0 : i32
      %dma_wait3A_128 = arith.constant 0 : i32
      %dma_wait3A_129 = tpu.memref_slice %arg2[%dma_wait3A_127, %dma_wait3A_128] : memref<10000x128xf32, #tpu.memory_space<hbm>> -> memref<10000x128xf32, #tpu.memory_space<hbm>>
      tpu.wait_indirect_dma semaphore(%arg13 : memref<!tpu.dma_semaphore, #tpu.memory_space<semaphore_mem>>) src(%dma_wait3A_129 : memref<10000x128xf32, #tpu.memory_space<hbm>>) dst(%arg9 : memref<64x128xf32, #tpu.memory_space<vmem>>)
      %add3A_130 = arith.constant 2 : i32
      %add3A_131 = arith.addi %add3A_89, %add3A_130 : i32
      "tpu.region"() ({
        %run_scoped3A_140 = tpu.sem_alloc : memref<!tpu.dma_semaphore, #tpu.memory_space<semaphore_mem>>
        %dma_start3A_141 = arith.constant 64 : i32
        %dma_start3A_142 = tpu.memref_slice %arg6[%add3A_131, %dma_start3A_141] : memref<160x128xi32, #tpu.memory_space<vmem>> -> memref<1x64xi32, #tpu.memory_space<vmem>>
        %dma_start3A_143 = tpu.memref_squeeze %dma_start3A_142 : memref<1x64xi32, #tpu.memory_space<vmem>> -> memref<64xi32, #tpu.memory_space<vmem>>
        %dma_start3A_144 = arith.constant 0 : i32
        %dma_start3A_145 = arith.constant 0 : i32
        %dma_start3A_146 = tpu.memref_slice %arg10[%dma_start3A_144, %dma_start3A_145] : memref<10008x128xf32, #tpu.memory_space<vmem_shared>> -> memref<10008x128xf32, #tpu.memory_space<vmem_shared>>
        tpu.enqueue_indirect_dma source(%arg9 : memref<64x128xf32, #tpu.memory_space<vmem>>) target(%dma_start3A_146 : memref<10008x128xf32, #tpu.memory_space<vmem_shared>>) offsets(%dma_start3A_143 : memref<64xi32, #tpu.memory_space<vmem>>) semaphore(%run_scoped3A_140 : memref<!tpu.dma_semaphore, #tpu.memory_space<semaphore_mem>>) {add = true}
        %dma_wait3A_147 = arith.constant 64 : i32
        %dma_wait3A_148 = tpu.memref_slice %arg6[%add3A_131, %dma_wait3A_147] : memref<160x128xi32, #tpu.memory_space<vmem>> -> memref<1x64xi32, #tpu.memory_space<vmem>>
        %dma_wait3A_149 = tpu.memref_squeeze %dma_wait3A_148 : memref<1x64xi32, #tpu.memory_space<vmem>> -> memref<64xi32, #tpu.memory_space<vmem>>
        %dma_wait3A_150 = arith.constant 0 : i32
        %dma_wait3A_151 = arith.constant 0 : i32
        %dma_wait3A_152 = tpu.memref_slice %arg10[%dma_wait3A_150, %dma_wait3A_151] : memref<10008x128xf32, #tpu.memory_space<vmem_shared>> -> memref<10008x128xf32, #tpu.memory_space<vmem_shared>>
        tpu.wait_indirect_dma semaphore(%run_scoped3A_140 : memref<!tpu.dma_semaphore, #tpu.memory_space<semaphore_mem>>) src(%arg9 : memref<64x128xf32, #tpu.memory_space<vmem>>) dst(%dma_wait3A_152 : memref<10008x128xf32, #tpu.memory_space<vmem_shared>>)
        tpu.yield
      }) : () -> ()
      %add3A_132 = arith.constant 5 : i32
      %add3A_133 = arith.addi %add3A_89, %add3A_132 : i32
      %dma_start3A_134 = arith.constant 0 : i32
      %dma_start3A_135 = tpu.memref_slice %arg6[%add3A_133, %dma_start3A_134] : memref<160x128xi32, #tpu.memory_space<vmem>> -> memref<1x64xi32, #tpu.memory_space<vmem>>
      %dma_start3A_136 = tpu.memref_squeeze %dma_start3A_135 : memref<1x64xi32, #tpu.memory_space<vmem>> -> memref<64xi32, #tpu.memory_space<vmem>>
      %dma_start3A_137 = arith.constant 0 : i32
      %dma_start3A_138 = arith.constant 0 : i32
      %dma_start3A_139 = tpu.memref_slice %arg2[%dma_start3A_137, %dma_start3A_138] : memref<10000x128xf32, #tpu.memory_space<hbm>> -> memref<10000x128xf32, #tpu.memory_space<hbm>>
      tpu.enqueue_indirect_dma source(%dma_start3A_139 : memref<10000x128xf32, #tpu.memory_space<hbm>>) target(%arg9 : memref<64x128xf32, #tpu.memory_space<vmem>>) offsets(%dma_start3A_136 : memref<64xi32, #tpu.memory_space<vmem>>) semaphore(%arg13 : memref<!tpu.dma_semaphore, #tpu.memory_space<semaphore_mem>>)
    }
    %scan3A_37 = arith.constant 52 : i32
    %dma_wait3A_38 = arith.constant 156 : i32
    %dma_wait3A_39 = arith.constant 0 : i32
    %dma_wait3A_40 = tpu.memref_slice %arg6[%dma_wait3A_38, %dma_wait3A_39] : memref<160x128xi32, #tpu.memory_space<vmem>> -> memref<1x64xi32, #tpu.memory_space<vmem>>
    %dma_wait3A_41 = tpu.memref_squeeze %dma_wait3A_40 : memref<1x64xi32, #tpu.memory_space<vmem>> -> memref<64xi32, #tpu.memory_space<vmem>>
    %dma_wait3A_42 = arith.constant 0 : i32
    %dma_wait3A_43 = arith.constant 0 : i32
    %dma_wait3A_44 = tpu.memref_slice %arg2[%dma_wait3A_42, %dma_wait3A_43] : memref<10000x128xf32, #tpu.memory_space<hbm>> -> memref<10000x128xf32, #tpu.memory_space<hbm>>
    tpu.wait_indirect_dma semaphore(%arg11 : memref<!tpu.dma_semaphore, #tpu.memory_space<semaphore_mem>>) src(%dma_wait3A_44 : memref<10000x128xf32, #tpu.memory_space<hbm>>) dst(%arg7 : memref<64x128xf32, #tpu.memory_space<vmem>>)
    %run_scoped3A = arith.constant 156 : i32
    "tpu.region"() ({
      %run_scoped3A_85 = tpu.sem_alloc : memref<!tpu.dma_semaphore, #tpu.memory_space<semaphore_mem>>
      %dma_start3A_86 = arith.constant 64 : i32
      %dma_start3A_87 = tpu.memref_slice %arg6[%run_scoped3A, %dma_start3A_86] : memref<160x128xi32, #tpu.memory_space<vmem>> -> memref<1x64xi32, #tpu.memory_space<vmem>>
      %dma_start3A_88 = tpu.memref_squeeze %dma_start3A_87 : memref<1x64xi32, #tpu.memory_space<vmem>> -> memref<64xi32, #tpu.memory_space<vmem>>
      %dma_start3A_89 = arith.constant 0 : i32
      %dma_start3A_90 = arith.constant 0 : i32
      %dma_start3A_91 = tpu.memref_slice %arg10[%dma_start3A_89, %dma_start3A_90] : memref<10008x128xf32, #tpu.memory_space<vmem_shared>> -> memref<10008x128xf32, #tpu.memory_space<vmem_shared>>
      tpu.enqueue_indirect_dma source(%arg7 : memref<64x128xf32, #tpu.memory_space<vmem>>) target(%dma_start3A_91 : memref<10008x128xf32, #tpu.memory_space<vmem_shared>>) offsets(%dma_start3A_88 : memref<64xi32, #tpu.memory_space<vmem>>) semaphore(%run_scoped3A_85 : memref<!tpu.dma_semaphore, #tpu.memory_space<semaphore_mem>>) {add = true}
      %dma_wait3A_92 = arith.constant 64 : i32
      %dma_wait3A_93 = tpu.memref_slice %arg6[%run_scoped3A, %dma_wait3A_92] : memref<160x128xi32, #tpu.memory_space<vmem>> -> memref<1x64xi32, #tpu.memory_space<vmem>>
      %dma_wait3A_94 = tpu.memref_squeeze %dma_wait3A_93 : memref<1x64xi32, #tpu.memory_space<vmem>> -> memref<64xi32, #tpu.memory_space<vmem>>
      %dma_wait3A_95 = arith.constant 0 : i32
      %dma_wait3A_96 = arith.constant 0 : i32
      %dma_wait3A_97 = tpu.memref_slice %arg10[%dma_wait3A_95, %dma_wait3A_96] : memref<10008x128xf32, #tpu.memory_space<vmem_shared>> -> memref<10008x128xf32, #tpu.memory_space<vmem_shared>>
      tpu.wait_indirect_dma semaphore(%run_scoped3A_85 : memref<!tpu.dma_semaphore, #tpu.memory_space<semaphore_mem>>) src(%arg7 : memref<64x128xf32, #tpu.memory_space<vmem>>) dst(%dma_wait3A_97 : memref<10008x128xf32, #tpu.memory_space<vmem_shared>>)
      tpu.yield
    }) : () -> ()
    %dma_start3A_45 = arith.constant 159 : i32
    %dma_start3A_46 = arith.constant 0 : i32
    %dma_start3A_47 = tpu.memref_slice %arg6[%dma_start3A_45, %dma_start3A_46] : memref<160x128xi32, #tpu.memory_space<vmem>> -> memref<1x64xi32, #tpu.memory_space<vmem>>
    %dma_start3A_48 = tpu.memref_squeeze %dma_start3A_47 : memref<1x64xi32, #tpu.memory_space<vmem>> -> memref<64xi32, #tpu.memory_space<vmem>>
    %dma_start3A_49 = arith.constant 0 : i32
    %dma_start3A_50 = arith.constant 0 : i32
    %dma_start3A_51 = tpu.memref_slice %arg2[%dma_start3A_49, %dma_start3A_50] : memref<10000x128xf32, #tpu.memory_space<hbm>> -> memref<10000x128xf32, #tpu.memory_space<hbm>>
    tpu.enqueue_indirect_dma source(%dma_start3A_51 : memref<10000x128xf32, #tpu.memory_space<hbm>>) target(%arg7 : memref<64x128xf32, #tpu.memory_space<vmem>>) offsets(%dma_start3A_48 : memref<64xi32, #tpu.memory_space<vmem>>) semaphore(%arg11 : memref<!tpu.dma_semaphore, #tpu.memory_space<semaphore_mem>>)
    %dma_wait3A_52 = arith.constant 157 : i32
    %dma_wait3A_53 = arith.constant 0 : i32
    %dma_wait3A_54 = tpu.memref_slice %arg6[%dma_wait3A_52, %dma_wait3A_53] : memref<160x128xi32, #tpu.memory_space<vmem>> -> memref<1x64xi32, #tpu.memory_space<vmem>>
    %dma_wait3A_55 = tpu.memref_squeeze %dma_wait3A_54 : memref<1x64xi32, #tpu.memory_space<vmem>> -> memref<64xi32, #tpu.memory_space<vmem>>
    %dma_wait3A_56 = arith.constant 0 : i32
    %dma_wait3A_57 = arith.constant 0 : i32
    %dma_wait3A_58 = tpu.memref_slice %arg2[%dma_wait3A_56, %dma_wait3A_57] : memref<10000x128xf32, #tpu.memory_space<hbm>> -> memref<10000x128xf32, #tpu.memory_space<hbm>>
    tpu.wait_indirect_dma semaphore(%arg12 : memref<!tpu.dma_semaphore, #tpu.memory_space<semaphore_mem>>) src(%dma_wait3A_58 : memref<10000x128xf32, #tpu.memory_space<hbm>>) dst(%arg8 : memref<64x128xf32, #tpu.memory_space<vmem>>)
    %run_scoped3A_59 = arith.constant 157 : i32
    "tpu.region"() ({
      %run_scoped3A_85 = tpu.sem_alloc : memref<!tpu.dma_semaphore, #tpu.memory_space<semaphore_mem>>
      %dma_start3A_86 = arith.constant 64 : i32
      %dma_start3A_87 = tpu.memref_slice %arg6[%run_scoped3A_59, %dma_start3A_86] : memref<160x128xi32, #tpu.memory_space<vmem>> -> memref<1x64xi32, #tpu.memory_space<vmem>>
      %dma_start3A_88 = tpu.memref_squeeze %dma_start3A_87 : memref<1x64xi32, #tpu.memory_space<vmem>> -> memref<64xi32, #tpu.memory_space<vmem>>
      %dma_start3A_89 = arith.constant 0 : i32
      %dma_start3A_90 = arith.constant 0 : i32
      %dma_start3A_91 = tpu.memref_slice %arg10[%dma_start3A_89, %dma_start3A_90] : memref<10008x128xf32, #tpu.memory_space<vmem_shared>> -> memref<10008x128xf32, #tpu.memory_space<vmem_shared>>
      tpu.enqueue_indirect_dma source(%arg8 : memref<64x128xf32, #tpu.memory_space<vmem>>) target(%dma_start3A_91 : memref<10008x128xf32, #tpu.memory_space<vmem_shared>>) offsets(%dma_start3A_88 : memref<64xi32, #tpu.memory_space<vmem>>) semaphore(%run_scoped3A_85 : memref<!tpu.dma_semaphore, #tpu.memory_space<semaphore_mem>>) {add = true}
      %dma_wait3A_92 = arith.constant 64 : i32
      %dma_wait3A_93 = tpu.memref_slice %arg6[%run_scoped3A_59, %dma_wait3A_92] : memref<160x128xi32, #tpu.memory_space<vmem>> -> memref<1x64xi32, #tpu.memory_space<vmem>>
      %dma_wait3A_94 = tpu.memref_squeeze %dma_wait3A_93 : memref<1x64xi32, #tpu.memory_space<vmem>> -> memref<64xi32, #tpu.memory_space<vmem>>
      %dma_wait3A_95 = arith.constant 0 : i32
      %dma_wait3A_96 = arith.constant 0 : i32
      %dma_wait3A_97 = tpu.memref_slice %arg10[%dma_wait3A_95, %dma_wait3A_96] : memref<10008x128xf32, #tpu.memory_space<vmem_shared>> -> memref<10008x128xf32, #tpu.memory_space<vmem_shared>>
      tpu.wait_indirect_dma semaphore(%run_scoped3A_85 : memref<!tpu.dma_semaphore, #tpu.memory_space<semaphore_mem>>) src(%arg8 : memref<64x128xf32, #tpu.memory_space<vmem>>) dst(%dma_wait3A_97 : memref<10008x128xf32, #tpu.memory_space<vmem_shared>>)
      tpu.yield
    }) : () -> ()
    %dma_wait3A_60 = arith.constant 158 : i32
    %dma_wait3A_61 = arith.constant 0 : i32
    %dma_wait3A_62 = tpu.memref_slice %arg6[%dma_wait3A_60, %dma_wait3A_61] : memref<160x128xi32, #tpu.memory_space<vmem>> -> memref<1x64xi32, #tpu.memory_space<vmem>>
    %dma_wait3A_63 = tpu.memref_squeeze %dma_wait3A_62 : memref<1x64xi32, #tpu.memory_space<vmem>> -> memref<64xi32, #tpu.memory_space<vmem>>
    %dma_wait3A_64 = arith.constant 0 : i32
    %dma_wait3A_65 = arith.constant 0 : i32
    %dma_wait3A_66 = tpu.memref_slice %arg2[%dma_wait3A_64, %dma_wait3A_65] : memref<10000x128xf32, #tpu.memory_space<hbm>> -> memref<10000x128xf32, #tpu.memory_space<hbm>>
    tpu.wait_indirect_dma semaphore(%arg13 : memref<!tpu.dma_semaphore, #tpu.memory_space<semaphore_mem>>) src(%dma_wait3A_66 : memref<10000x128xf32, #tpu.memory_space<hbm>>) dst(%arg9 : memref<64x128xf32, #tpu.memory_space<vmem>>)
    %run_scoped3A_67 = arith.constant 158 : i32
    "tpu.region"() ({
      %run_scoped3A_85 = tpu.sem_alloc : memref<!tpu.dma_semaphore, #tpu.memory_space<semaphore_mem>>
      %dma_start3A_86 = arith.constant 64 : i32
      %dma_start3A_87 = tpu.memref_slice %arg6[%run_scoped3A_67, %dma_start3A_86] : memref<160x128xi32, #tpu.memory_space<vmem>> -> memref<1x64xi32, #tpu.memory_space<vmem>>
      %dma_start3A_88 = tpu.memref_squeeze %dma_start3A_87 : memref<1x64xi32, #tpu.memory_space<vmem>> -> memref<64xi32, #tpu.memory_space<vmem>>
      %dma_start3A_89 = arith.constant 0 : i32
      %dma_start3A_90 = arith.constant 0 : i32
      %dma_start3A_91 = tpu.memref_slice %arg10[%dma_start3A_89, %dma_start3A_90] : memref<10008x128xf32, #tpu.memory_space<vmem_shared>> -> memref<10008x128xf32, #tpu.memory_space<vmem_shared>>
      tpu.enqueue_indirect_dma source(%arg9 : memref<64x128xf32, #tpu.memory_space<vmem>>) target(%dma_start3A_91 : memref<10008x128xf32, #tpu.memory_space<vmem_shared>>) offsets(%dma_start3A_88 : memref<64xi32, #tpu.memory_space<vmem>>) semaphore(%run_scoped3A_85 : memref<!tpu.dma_semaphore, #tpu.memory_space<semaphore_mem>>) {add = true}
      %dma_wait3A_92 = arith.constant 64 : i32
      %dma_wait3A_93 = tpu.memref_slice %arg6[%run_scoped3A_67, %dma_wait3A_92] : memref<160x128xi32, #tpu.memory_space<vmem>> -> memref<1x64xi32, #tpu.memory_space<vmem>>
      %dma_wait3A_94 = tpu.memref_squeeze %dma_wait3A_93 : memref<1x64xi32, #tpu.memory_space<vmem>> -> memref<64xi32, #tpu.memory_space<vmem>>
      %dma_wait3A_95 = arith.constant 0 : i32
      %dma_wait3A_96 = arith.constant 0 : i32
      %dma_wait3A_97 = tpu.memref_slice %arg10[%dma_wait3A_95, %dma_wait3A_96] : memref<10008x128xf32, #tpu.memory_space<vmem_shared>> -> memref<10008x128xf32, #tpu.memory_space<vmem_shared>>
      tpu.wait_indirect_dma semaphore(%run_scoped3A_85 : memref<!tpu.dma_semaphore, #tpu.memory_space<semaphore_mem>>) src(%arg9 : memref<64x128xf32, #tpu.memory_space<vmem>>) dst(%dma_wait3A_97 : memref<10008x128xf32, #tpu.memory_space<vmem_shared>>)
      tpu.yield
    }) : () -> ()
    %dma_wait3A_68 = arith.constant 159 : i32
    %dma_wait3A_69 = arith.constant 0 : i32
    %dma_wait3A_70 = tpu.memref_slice %arg6[%dma_wait3A_68, %dma_wait3A_69] : memref<160x128xi32, #tpu.memory_space<vmem>> -> memref<1x64xi32, #tpu.memory_space<vmem>>
    %dma_wait3A_71 = tpu.memref_squeeze %dma_wait3A_70 : memref<1x64xi32, #tpu.memory_space<vmem>> -> memref<64xi32, #tpu.memory_space<vmem>>
    %dma_wait3A_72 = arith.constant 0 : i32
    %dma_wait3A_73 = arith.constant 0 : i32
    %dma_wait3A_74 = tpu.memref_slice %arg2[%dma_wait3A_72, %dma_wait3A_73] : memref<10000x128xf32, #tpu.memory_space<hbm>> -> memref<10000x128xf32, #tpu.memory_space<hbm>>
    tpu.wait_indirect_dma semaphore(%arg11 : memref<!tpu.dma_semaphore, #tpu.memory_space<semaphore_mem>>) src(%dma_wait3A_74 : memref<10000x128xf32, #tpu.memory_space<hbm>>) dst(%arg7 : memref<64x128xf32, #tpu.memory_space<vmem>>)
    %run_scoped3A_75 = arith.constant 159 : i32
    "tpu.region"() ({
      %run_scoped3A_85 = tpu.sem_alloc : memref<!tpu.dma_semaphore, #tpu.memory_space<semaphore_mem>>
      %dma_start3A_86 = arith.constant 64 : i32
      %dma_start3A_87 = tpu.memref_slice %arg6[%run_scoped3A_75, %dma_start3A_86] : memref<160x128xi32, #tpu.memory_space<vmem>> -> memref<1x64xi32, #tpu.memory_space<vmem>>
      %dma_start3A_88 = tpu.memref_squeeze %dma_start3A_87 : memref<1x64xi32, #tpu.memory_space<vmem>> -> memref<64xi32, #tpu.memory_space<vmem>>
      %dma_start3A_89 = arith.constant 0 : i32
      %dma_start3A_90 = arith.constant 0 : i32
      %dma_start3A_91 = tpu.memref_slice %arg10[%dma_start3A_89, %dma_start3A_90] : memref<10008x128xf32, #tpu.memory_space<vmem_shared>> -> memref<10008x128xf32, #tpu.memory_space<vmem_shared>>
      tpu.enqueue_indirect_dma source(%arg7 : memref<64x128xf32, #tpu.memory_space<vmem>>) target(%dma_start3A_91 : memref<10008x128xf32, #tpu.memory_space<vmem_shared>>) offsets(%dma_start3A_88 : memref<64xi32, #tpu.memory_space<vmem>>) semaphore(%run_scoped3A_85 : memref<!tpu.dma_semaphore, #tpu.memory_space<semaphore_mem>>) {add = true}
      %dma_wait3A_92 = arith.constant 64 : i32
      %dma_wait3A_93 = tpu.memref_slice %arg6[%run_scoped3A_75, %dma_wait3A_92] : memref<160x128xi32, #tpu.memory_space<vmem>> -> memref<1x64xi32, #tpu.memory_space<vmem>>
      %dma_wait3A_94 = tpu.memref_squeeze %dma_wait3A_93 : memref<1x64xi32, #tpu.memory_space<vmem>> -> memref<64xi32, #tpu.memory_space<vmem>>
      %dma_wait3A_95 = arith.constant 0 : i32
      %dma_wait3A_96 = arith.constant 0 : i32
      %dma_wait3A_97 = tpu.memref_slice %arg10[%dma_wait3A_95, %dma_wait3A_96] : memref<10008x128xf32, #tpu.memory_space<vmem_shared>> -> memref<10008x128xf32, #tpu.memory_space<vmem_shared>>
      tpu.wait_indirect_dma semaphore(%run_scoped3A_85 : memref<!tpu.dma_semaphore, #tpu.memory_space<semaphore_mem>>) src(%arg7 : memref<64x128xf32, #tpu.memory_space<vmem>>) dst(%dma_wait3A_97 : memref<10008x128xf32, #tpu.memory_space<vmem_shared>>)
      tpu.yield
    }) : () -> ()
    %barrier3A_76 = arith.constant 0 : index
    tpu.barrier barrier_id(%barrier3A_76)
    %mul3A_77 = arith.constant 10000 : i32
    %mul3A_78 = arith.muli %arg0, %mul3A_77 : i32
    %add3A_79 = arith.addi %mul3A_78, %mul3A_2 : i32
    "tpu.region"() ({
      %run_scoped3A_85 = tpu.sem_alloc : memref<!tpu.dma_semaphore, #tpu.memory_space<semaphore_mem>>
      %dma_start3A_86 = arith.constant 0 : i32
      %dma_start3A_87 = tpu.memref_slice %arg5[%add3A_79, %dma_start3A_86] : memref<20000x128xf32, #tpu.memory_space<hbm>> -> memref<624x128xf32, #tpu.memory_space<hbm>>
      %dma_start3A_88 = arith.constant 0 : i32
      %dma_start3A_89 = tpu.memref_slice %arg10[%mul3A_2, %dma_start3A_88] : memref<10008x128xf32, #tpu.memory_space<vmem_shared>> -> memref<624x128xf32, #tpu.memory_space<vmem_shared>>
      tpu.enqueue_dma source(%dma_start3A_89 : memref<624x128xf32, #tpu.memory_space<vmem_shared>>) target(%dma_start3A_87 : memref<624x128xf32, #tpu.memory_space<hbm>>) target_semaphore(%run_scoped3A_85 : memref<!tpu.dma_semaphore, #tpu.memory_space<semaphore_mem>>)
      %dma_wait3A_90 = arith.constant 0 : i32
      %dma_wait3A_91 = tpu.memref_slice %arg5[%add3A_79, %dma_wait3A_90] : memref<20000x128xf32, #tpu.memory_space<hbm>> -> memref<624x128xf32, #tpu.memory_space<hbm>>
      %dma_wait3A_92 = arith.constant 0 : i32
      %dma_wait3A_93 = tpu.memref_slice %arg10[%mul3A_2, %dma_wait3A_92] : memref<10008x128xf32, #tpu.memory_space<vmem_shared>> -> memref<624x128xf32, #tpu.memory_space<vmem_shared>>
      tpu.wait_dma2 semaphore(%run_scoped3A_85 : memref<!tpu.dma_semaphore, #tpu.memory_space<semaphore_mem>>) src(%dma_wait3A_93 : memref<624x128xf32, #tpu.memory_space<vmem_shared>>) dst(%dma_wait3A_91 : memref<624x128xf32, #tpu.memory_space<hbm>>)
      tpu.yield
    }) : () -> ()
    %eq3A_80 = arith.constant 15 : i32
    %eq3A_81 = arith.cmpi eq, %arg1, %eq3A_80 : i32
    %convert_element_type3A_82 = arith.extui %eq3A_81 : i1 to i32
    %cond3A_83 = arith.constant 0 : i32
    %cond3A_84 = arith.cmpi ne, %convert_element_type3A_82, %cond3A_83 : i32
    scf.if %cond3A_84 {
      %mul3A_85 = arith.constant 10000 : i32
      %mul3A_86 = arith.muli %arg0, %mul3A_85 : i32
      %add3A_87 = arith.constant 9984 : i32
      %add3A_88 = arith.addi %mul3A_86, %add3A_87 : i32
      "tpu.region"() ({
        %run_scoped3A_89 = tpu.sem_alloc : memref<!tpu.dma_semaphore, #tpu.memory_space<semaphore_mem>>
        %dma_start3A_90 = arith.constant 0 : i32
        %dma_start3A_91 = tpu.memref_slice %arg5[%add3A_88, %dma_start3A_90] : memref<20000x128xf32, #tpu.memory_space<hbm>> -> memref<16x128xf32, #tpu.memory_space<hbm>>
        %dma_start3A_92 = arith.constant 9984 : i32
        %dma_start3A_93 = arith.constant 0 : i32
        %dma_start3A_94 = tpu.memref_slice %arg10[%dma_start3A_92, %dma_start3A_93] : memref<10008x128xf32, #tpu.memory_space<vmem_shared>> -> memref<16x128xf32, #tpu.memory_space<vmem_shared>>
        tpu.enqueue_dma source(%dma_start3A_94 : memref<16x128xf32, #tpu.memory_space<vmem_shared>>) target(%dma_start3A_91 : memref<16x128xf32, #tpu.memory_space<hbm>>) target_semaphore(%run_scoped3A_89 : memref<!tpu.dma_semaphore, #tpu.memory_space<semaphore_mem>>)
        %dma_wait3A_95 = arith.constant 0 : i32
        %dma_wait3A_96 = tpu.memref_slice %arg5[%add3A_88, %dma_wait3A_95] : memref<20000x128xf32, #tpu.memory_space<hbm>> -> memref<16x128xf32, #tpu.memory_space<hbm>>
        %dma_wait3A_97 = arith.constant 9984 : i32
        %dma_wait3A_98 = arith.constant 0 : i32
        %dma_wait3A_99 = tpu.memref_slice %arg10[%dma_wait3A_97, %dma_wait3A_98] : memref<10008x128xf32, #tpu.memory_space<vmem_shared>> -> memref<16x128xf32, #tpu.memory_space<vmem_shared>>
        tpu.wait_dma2 semaphore(%run_scoped3A_89 : memref<!tpu.dma_semaphore, #tpu.memory_space<semaphore_mem>>) src(%dma_wait3A_99 : memref<16x128xf32, #tpu.memory_space<vmem_shared>>) dst(%dma_wait3A_96 : memref<16x128xf32, #tpu.memory_space<hbm>>)
        tpu.yield
      }) : () -> ()
    } else {
    }
    return
  }
}

#map = affine_map<(d0, d1) -> (0, 0)>
module attributes {stable_mosaic.version = 14 : i64} {
  func.func @spmm_kernel(%arg0: i32, %arg1: i32, %arg2: memref<10000x128xf32, #tpu.memory_space<hbm>>, %arg3: memref<5120x128xi32, #tpu.memory_space<hbm>>, %arg4: memref<10008x128xf32, #tpu.memory_space<hbm>>, %arg5: memref<20000x128xf32, #tpu.memory_space<hbm>>, %arg6: memref<160x128xi32, #tpu.memory_space<vmem>>, %arg7: memref<64x128xf32, #tpu.memory_space<vmem>>, %arg8: memref<64x128xf32, #tpu.memory_space<vmem>>, %arg9: memref<64x128xf32, #tpu.memory_space<vmem>>, %arg10: memref<10008x128xf32, #tpu.memory_space<vmem_shared>>, %arg11: memref<!tpu.dma_semaphore, #tpu.memory_space<semaphore_mem>>, %arg12: memref<!tpu.dma_semaphore, #tpu.memory_space<semaphore_mem>>, %arg13: memref<!tpu.dma_semaphore, #tpu.memory_space<semaphore_mem>>, %arg14: memref<!tpu.dma_semaphore, #tpu.memory_space<semaphore_mem>>) attributes {dimension_semantics = [#tpu.dimension_semantics<core_parallel>, #tpu.dimension_semantics<subcore_parallel>], iteration_bounds = array<i64: 2, 16>, scalar_prefetch = 0 : i64, scratch_operands = 9 : i64, tpu.core_type = #tpu.core_type<sc_vector_subcore>, window_params = [{transform_indices = #map}, {transform_indices = #map}, {transform_indices = #map}, {transform_indices = #map}]} {
    %mul3A = arith.constant 2 : i32
    %mul3A_0 = arith.muli %arg1, %mul3A : i32
    %add3A = arith.addi %mul3A_0, %arg0 : i32
    %mul3A_1 = arith.constant 624 : i32
    %mul3A_2 = arith.muli %arg1, %mul3A_1 : i32
    %dma_start3A = arith.constant 0 : i32
    %dma_start3A_3 = tpu.memref_slice %arg10[%mul3A_2, %dma_start3A] : memref<10008x128xf32, #tpu.memory_space<vmem_shared>> -> memref<624x128xf32, #tpu.memory_space<vmem_shared>>
    %dma_start3A_4 = arith.constant 0 : i32
    %dma_start3A_5 = tpu.memref_slice %arg4[%mul3A_2, %dma_start3A_4] : memref<10008x128xf32, #tpu.memory_space<hbm>> -> memref<624x128xf32, #tpu.memory_space<hbm>>
    tpu.enqueue_dma source(%dma_start3A_5 : memref<624x128xf32, #tpu.memory_space<hbm>>) target(%dma_start3A_3 : memref<624x128xf32, #tpu.memory_space<vmem_shared>>) target_semaphore(%arg14 : memref<!tpu.dma_semaphore, #tpu.memory_space<semaphore_mem>>)
    %eq3A = arith.constant 15 : i32
    %eq3A_6 = arith.cmpi eq, %arg1, %eq3A : i32
    %convert_element_type3A = arith.extui %eq3A_6 : i1 to i32
    %cond3A = arith.constant 0 : i32
    %cond3A_7 = arith.cmpi ne, %convert_element_type3A, %cond3A : i32
    scf.if %cond3A_7 {
      %dma_start3A_85 = arith.constant 9984 : i32
      %dma_start3A_86 = arith.constant 0 : i32
      %dma_start3A_87 = tpu.memref_slice %arg10[%dma_start3A_85, %dma_start3A_86] : memref<10008x128xf32, #tpu.memory_space<vmem_shared>> -> memref<24x128xf32, #tpu.memory_space<vmem_shared>>
      %dma_start3A_88 = arith.constant 9984 : i32
      %dma_start3A_89 = arith.constant 0 : i32
      %dma_start3A_90 = tpu.memref_slice %arg4[%dma_start3A_88, %dma_start3A_89] : memref<10008x128xf32, #tpu.memory_space<hbm>> -> memref<24x128xf32, #tpu.memory_space<hbm>>
      tpu.enqueue_dma source(%dma_start3A_90 : memref<24x128xf32, #tpu.memory_space<hbm>>) target(%dma_start3A_87 : memref<24x128xf32, #tpu.memory_space<vmem_shared>>) target_semaphore(%arg14 : memref<!tpu.dma_semaphore, #tpu.memory_space<semaphore_mem>>)
      %dma_wait3A_91 = arith.constant 9984 : i32
      %dma_wait3A_92 = arith.constant 0 : i32
      %dma_wait3A_93 = tpu.memref_slice %arg10[%dma_wait3A_91, %dma_wait3A_92] : memref<10008x128xf32, #tpu.memory_space<vmem_shared>> -> memref<24x128xf32, #tpu.memory_space<vmem_shared>>
      %dma_wait3A_94 = arith.constant 9984 : i32
      %dma_wait3A_95 = arith.constant 0 : i32
      %dma_wait3A_96 = tpu.memref_slice %arg4[%dma_wait3A_94, %dma_wait3A_95] : memref<10008x128xf32, #tpu.memory_space<hbm>> -> memref<24x128xf32, #tpu.memory_space<hbm>>
      tpu.wait_dma2 semaphore(%arg14 : memref<!tpu.dma_semaphore, #tpu.memory_space<semaphore_mem>>) src(%dma_wait3A_96 : memref<24x128xf32, #tpu.memory_space<hbm>>) dst(%dma_wait3A_93 : memref<24x128xf32, #tpu.memory_space<vmem_shared>>)
    } else {
    }
    %mul3A_8 = arith.constant 160 : i32
    %mul3A_9 = arith.muli %add3A, %mul3A_8 : i32
    "tpu.region"() ({
      %run_scoped3A_85 = tpu.sem_alloc : memref<!tpu.dma_semaphore, #tpu.memory_space<semaphore_mem>>
      %dma_start3A_86 = arith.constant 0 : i32
      %dma_start3A_87 = tpu.memref_slice %arg3[%mul3A_9, %dma_start3A_86] : memref<5120x128xi32, #tpu.memory_space<hbm>> -> memref<160x128xi32, #tpu.memory_space<hbm>>
      %dma_start3A_88 = arith.constant 0 : i32
      %dma_start3A_89 = tpu.memref_slice %arg3[%mul3A_9, %dma_start3A_88] : memref<5120x128xi32, #tpu.memory_space<hbm>> -> memref<160x128xi32, #tpu.memory_space<hbm>>
      tpu.enqueue_dma source(%dma_start3A_89 : memref<160x128xi32, #tpu.memory_space<hbm>>) target(%arg6 : memref<160x128xi32, #tpu.memory_space<vmem>>) target_semaphore(%run_scoped3A_85 : memref<!tpu.dma_semaphore, #tpu.memory_space<semaphore_mem>>)
      %dma_wait3A_90 = arith.constant 0 : i32
      %dma_wait3A_91 = tpu.memref_slice %arg3[%mul3A_9, %dma_wait3A_90] : memref<5120x128xi32, #tpu.memory_space<hbm>> -> memref<160x128xi32, #tpu.memory_space<hbm>>
      %dma_wait3A_92 = arith.constant 0 : i32
      %dma_wait3A_93 = tpu.memref_slice %arg3[%mul3A_9, %dma_wait3A_92] : memref<5120x128xi32, #tpu.memory_space<hbm>> -> memref<160x128xi32, #tpu.memory_space<hbm>>
      tpu.wait_dma2 semaphore(%run_scoped3A_85 : memref<!tpu.dma_semaphore, #tpu.memory_space<semaphore_mem>>) src(%dma_wait3A_93 : memref<160x128xi32, #tpu.memory_space<hbm>>) dst(%arg6 : memref<160x128xi32, #tpu.memory_space<vmem>>)
      tpu.yield
    }) : () -> ()
    %dma_wait3A = arith.constant 0 : i32
    %dma_wait3A_10 = tpu.memref_slice %arg10[%mul3A_2, %dma_wait3A] : memref<10008x128xf32, #tpu.memory_space<vmem_shared>> -> memref<624x128xf32, #tpu.memory_space<vmem_shared>>
    %dma_wait3A_11 = arith.constant 0 : i32
    %dma_wait3A_12 = tpu.memref_slice %arg4[%mul3A_2, %dma_wait3A_11] : memref<10008x128xf32, #tpu.memory_space<hbm>> -> memref<624x128xf32, #tpu.memory_space<hbm>>
    tpu.wait_dma2 semaphore(%arg14 : memref<!tpu.dma_semaphore, #tpu.memory_space<semaphore_mem>>) src(%dma_wait3A_12 : memref<624x128xf32, #tpu.memory_space<hbm>>) dst(%dma_wait3A_10 : memref<624x128xf32, #tpu.memory_space<vmem_shared>>)
    %barrier3A = arith.constant 0 : index
    tpu.barrier barrier_id(%barrier3A)
    %dma_start3A_13 = arith.constant 0 : i32
    %dma_start3A_14 = arith.constant 0 : i32
    %dma_start3A_15 = tpu.memref_slice %arg6[%dma_start3A_13, %dma_start3A_14] : memref<160x128xi32, #tpu.memory_space<vmem>> -> memref<1x64xi32, #tpu.memory_space<vmem>>
    %dma_start3A_16 = tpu.memref_squeeze %dma_start3A_15 : memref<1x64xi32, #tpu.memory_space<vmem>> -> memref<64xi32, #tpu.memory_space<vmem>>
    %dma_start3A_17 = arith.constant 0 : i32
    %dma_start3A_18 = arith.constant 0 : i32
    %dma_start3A_19 = tpu.memref_slice %arg2[%dma_start3A_17, %dma_start3A_18] : memref<10000x128xf32, #tpu.memory_space<hbm>> -> memref<10000x128xf32, #tpu.memory_space<hbm>>
    tpu.enqueue_indirect_dma source(%dma_start3A_19 : memref<10000x128xf32, #tpu.memory_space<hbm>>) target(%arg7 : memref<64x128xf32, #tpu.memory_space<vmem>>) offsets(%dma_start3A_16 : memref<64xi32, #tpu.memory_space<vmem>>) semaphore(%arg11 : memref<!tpu.dma_semaphore, #tpu.memory_space<semaphore_mem>>)
    %dma_start3A_20 = arith.constant 1 : i32
    %dma_start3A_21 = arith.constant 0 : i32
    %dma_start3A_22 = tpu.memref_slice %arg6[%dma_start3A_20, %dma_start3A_21] : memref<160x128xi32, #tpu.memory_space<vmem>> -> memref<1x64xi32, #tpu.memory_space<vmem>>
    %dma_start3A_23 = tpu.memref_squeeze %dma_start3A_22 : memref<1x64xi32, #tpu.memory_space<vmem>> -> memref<64xi32, #tpu.memory_space<vmem>>
    %dma_start3A_24 = arith.constant 0 : i32
    %dma_start3A_25 = arith.constant 0 : i32
    %dma_start3A_26 = tpu.memref_slice %arg2[%dma_start3A_24, %dma_start3A_25] : memref<10000x128xf32, #tpu.memory_space<hbm>> -> memref<10000x128xf32, #tpu.memory_space<hbm>>
    tpu.enqueue_indirect_dma source(%dma_start3A_26 : memref<10000x128xf32, #tpu.memory_space<hbm>>) target(%arg8 : memref<64x128xf32, #tpu.memory_space<vmem>>) offsets(%dma_start3A_23 : memref<64xi32, #tpu.memory_space<vmem>>) semaphore(%arg12 : memref<!tpu.dma_semaphore, #tpu.memory_space<semaphore_mem>>)
    %dma_start3A_27 = arith.constant 2 : i32
    %dma_start3A_28 = arith.constant 0 : i32
    %dma_start3A_29 = tpu.memref_slice %arg6[%dma_start3A_27, %dma_start3A_28] : memref<160x128xi32, #tpu.memory_space<vmem>> -> memref<1x64xi32, #tpu.memory_space<vmem>>
    %dma_start3A_30 = tpu.memref_squeeze %dma_start3A_29 : memref<1x64xi32, #tpu.memory_space<vmem>> -> memref<64xi32, #tpu.memory_space<vmem>>
    %dma_start3A_31 = arith.constant 0 : i32
    %dma_start3A_32 = arith.constant 0 : i32
    %dma_start3A_33 = tpu.memref_slice %arg2[%dma_start3A_31, %dma_start3A_32] : memref<10000x128xf32, #tpu.memory_space<hbm>> -> memref<10000x128xf32, #tpu.memory_space<hbm>>
    tpu.enqueue_indirect_dma source(%dma_start3A_33 : memref<10000x128xf32, #tpu.memory_space<hbm>>) target(%arg9 : memref<64x128xf32, #tpu.memory_space<vmem>>) offsets(%dma_start3A_30 : memref<64xi32, #tpu.memory_space<vmem>>) semaphore(%arg13 : memref<!tpu.dma_semaphore, #tpu.memory_space<semaphore_mem>>)
    %scan3A = arith.constant 0 : i32
    %scan3A_34 = arith.constant 52 : i32
    %scan3A_35 = arith.addi %scan3A, %scan3A_34 : i32
    %scan3A_36 = arith.constant 1 : i32
    scf.for %scan3A_85 = %scan3A to %scan3A_35 step %scan3A_36  : i32 {
      %mul3A_86 = arith.constant 3 : i32
      %mul3A_87 = arith.muli %scan3A_85, %mul3A_86 : i32
      %add3A_88 = arith.constant 0 : i32
      %add3A_89 = arith.addi %add3A_88, %mul3A_87 : i32
      %dma_wait3A_90 = arith.constant 0 : i32
      %dma_wait3A_91 = tpu.memref_slice %arg6[%add3A_89, %dma_wait3A_90] : memref<160x128xi32, #tpu.memory_space<vmem>> -> memref<1x64xi32, #tpu.memory_space<vmem>>
      %dma_wait3A_92 = tpu.memref_squeeze %dma_wait3A_91 : memref<1x64xi32, #tpu.memory_space<vmem>> -> memref<64xi32, #tpu.memory_space<vmem>>
      %dma_wait3A_93 = arith.constant 0 : i32
      %dma_wait3A_94 = arith.constant 0 : i32
      %dma_wait3A_95 = tpu.memref_slice %arg2[%dma_wait3A_93, %dma_wait3A_94] : memref<10000x128xf32, #tpu.memory_space<hbm>> -> memref<10000x128xf32, #tpu.memory_space<hbm>>
      tpu.wait_indirect_dma semaphore(%arg11 : memref<!tpu.dma_semaphore, #tpu.memory_space<semaphore_mem>>) src(%dma_wait3A_95 : memref<10000x128xf32, #tpu.memory_space<hbm>>) dst(%arg7 : memref<64x128xf32, #tpu.memory_space<vmem>>)
      "tpu.region"() ({
        %run_scoped3A_140 = tpu.sem_alloc : memref<!tpu.dma_semaphore, #tpu.memory_space<semaphore_mem>>
        %dma_start3A_141 = arith.constant 64 : i32
        %dma_start3A_142 = tpu.memref_slice %arg6[%add3A_89, %dma_start3A_141] : memref<160x128xi32, #tpu.memory_space<vmem>> -> memref<1x64xi32, #tpu.memory_space<vmem>>
        %dma_start3A_143 = tpu.memref_squeeze %dma_start3A_142 : memref<1x64xi32, #tpu.memory_space<vmem>> -> memref<64xi32, #tpu.memory_space<vmem>>
        %dma_start3A_144 = arith.constant 0 : i32
        %dma_start3A_145 = arith.constant 0 : i32
        %dma_start3A_146 = tpu.memref_slice %arg10[%dma_start3A_144, %dma_start3A_145] : memref<10008x128xf32, #tpu.memory_space<vmem_shared>> -> memref<10008x128xf32, #tpu.memory_space<vmem_shared>>
        tpu.enqueue_indirect_dma source(%arg7 : memref<64x128xf32, #tpu.memory_space<vmem>>) target(%dma_start3A_146 : memref<10008x128xf32, #tpu.memory_space<vmem_shared>>) offsets(%dma_start3A_143 : memref<64xi32, #tpu.memory_space<vmem>>) semaphore(%run_scoped3A_140 : memref<!tpu.dma_semaphore, #tpu.memory_space<semaphore_mem>>) {add = true}
        %dma_wait3A_147 = arith.constant 64 : i32
        %dma_wait3A_148 = tpu.memref_slice %arg6[%add3A_89, %dma_wait3A_147] : memref<160x128xi32, #tpu.memory_space<vmem>> -> memref<1x64xi32, #tpu.memory_space<vmem>>
        %dma_wait3A_149 = tpu.memref_squeeze %dma_wait3A_148 : memref<1x64xi32, #tpu.memory_space<vmem>> -> memref<64xi32, #tpu.memory_space<vmem>>
        %dma_wait3A_150 = arith.constant 0 : i32
        %dma_wait3A_151 = arith.constant 0 : i32
        %dma_wait3A_152 = tpu.memref_slice %arg10[%dma_wait3A_150, %dma_wait3A_151] : memref<10008x128xf32, #tpu.memory_space<vmem_shared>> -> memref<10008x128xf32, #tpu.memory_space<vmem_shared>>
        tpu.wait_indirect_dma semaphore(%run_scoped3A_140 : memref<!tpu.dma_semaphore, #tpu.memory_space<semaphore_mem>>) src(%arg7 : memref<64x128xf32, #tpu.memory_space<vmem>>) dst(%dma_wait3A_152 : memref<10008x128xf32, #tpu.memory_space<vmem_shared>>)
        tpu.yield
      }) : () -> ()
      %add3A_96 = arith.constant 3 : i32
      %add3A_97 = arith.addi %add3A_89, %add3A_96 : i32
      %dma_start3A_98 = arith.constant 0 : i32
      %dma_start3A_99 = tpu.memref_slice %arg6[%add3A_97, %dma_start3A_98] : memref<160x128xi32, #tpu.memory_space<vmem>> -> memref<1x64xi32, #tpu.memory_space<vmem>>
      %dma_start3A_100 = tpu.memref_squeeze %dma_start3A_99 : memref<1x64xi32, #tpu.memory_space<vmem>> -> memref<64xi32, #tpu.memory_space<vmem>>
      %dma_start3A_101 = arith.constant 0 : i32
      %dma_start3A_102 = arith.constant 0 : i32
      %dma_start3A_103 = tpu.memref_slice %arg2[%dma_start3A_101, %dma_start3A_102] : memref<10000x128xf32, #tpu.memory_space<hbm>> -> memref<10000x128xf32, #tpu.memory_space<hbm>>
      tpu.enqueue_indirect_dma source(%dma_start3A_103 : memref<10000x128xf32, #tpu.memory_space<hbm>>) target(%arg7 : memref<64x128xf32, #tpu.memory_space<vmem>>) offsets(%dma_start3A_100 : memref<64xi32, #tpu.memory_space<vmem>>) semaphore(%arg11 : memref<!tpu.dma_semaphore, #tpu.memory_space<semaphore_mem>>)
      %add3A_104 = arith.constant 1 : i32
      %add3A_105 = arith.addi %add3A_89, %add3A_104 : i32
      %dma_wait3A_106 = arith.constant 0 : i32
      %dma_wait3A_107 = tpu.memref_slice %arg6[%add3A_105, %dma_wait3A_106] : memref<160x128xi32, #tpu.memory_space<vmem>> -> memref<1x64xi32, #tpu.memory_space<vmem>>
      %dma_wait3A_108 = tpu.memref_squeeze %dma_wait3A_107 : memref<1x64xi32, #tpu.memory_space<vmem>> -> memref<64xi32, #tpu.memory_space<vmem>>
      %dma_wait3A_109 = arith.constant 0 : i32
      %dma_wait3A_110 = arith.constant 0 : i32
      %dma_wait3A_111 = tpu.memref_slice %arg2[%dma_wait3A_109, %dma_wait3A_110] : memref<10000x128xf32, #tpu.memory_space<hbm>> -> memref<10000x128xf32, #tpu.memory_space<hbm>>
      tpu.wait_indirect_dma semaphore(%arg12 : memref<!tpu.dma_semaphore, #tpu.memory_space<semaphore_mem>>) src(%dma_wait3A_111 : memref<10000x128xf32, #tpu.memory_space<hbm>>) dst(%arg8 : memref<64x128xf32, #tpu.memory_space<vmem>>)
      %add3A_112 = arith.constant 1 : i32
      %add3A_113 = arith.addi %add3A_89, %add3A_112 : i32
      "tpu.region"() ({
        %run_scoped3A_140 = tpu.sem_alloc : memref<!tpu.dma_semaphore, #tpu.memory_space<semaphore_mem>>
        %dma_start3A_141 = arith.constant 64 : i32
        %dma_start3A_142 = tpu.memref_slice %arg6[%add3A_113, %dma_start3A_141] : memref<160x128xi32, #tpu.memory_space<vmem>> -> memref<1x64xi32, #tpu.memory_space<vmem>>
        %dma_start3A_143 = tpu.memref_squeeze %dma_start3A_142 : memref<1x64xi32, #tpu.memory_space<vmem>> -> memref<64xi32, #tpu.memory_space<vmem>>
        %dma_start3A_144 = arith.constant 0 : i32
        %dma_start3A_145 = arith.constant 0 : i32
        %dma_start3A_146 = tpu.memref_slice %arg10[%dma_start3A_144, %dma_start3A_145] : memref<10008x128xf32, #tpu.memory_space<vmem_shared>> -> memref<10008x128xf32, #tpu.memory_space<vmem_shared>>
        tpu.enqueue_indirect_dma source(%arg8 : memref<64x128xf32, #tpu.memory_space<vmem>>) target(%dma_start3A_146 : memref<10008x128xf32, #tpu.memory_space<vmem_shared>>) offsets(%dma_start3A_143 : memref<64xi32, #tpu.memory_space<vmem>>) semaphore(%run_scoped3A_140 : memref<!tpu.dma_semaphore, #tpu.memory_space<semaphore_mem>>) {add = true}
        %dma_wait3A_147 = arith.constant 64 : i32
        %dma_wait3A_148 = tpu.memref_slice %arg6[%add3A_113, %dma_wait3A_147] : memref<160x128xi32, #tpu.memory_space<vmem>> -> memref<1x64xi32, #tpu.memory_space<vmem>>
        %dma_wait3A_149 = tpu.memref_squeeze %dma_wait3A_148 : memref<1x64xi32, #tpu.memory_space<vmem>> -> memref<64xi32, #tpu.memory_space<vmem>>
        %dma_wait3A_150 = arith.constant 0 : i32
        %dma_wait3A_151 = arith.constant 0 : i32
        %dma_wait3A_152 = tpu.memref_slice %arg10[%dma_wait3A_150, %dma_wait3A_151] : memref<10008x128xf32, #tpu.memory_space<vmem_shared>> -> memref<10008x128xf32, #tpu.memory_space<vmem_shared>>
        tpu.wait_indirect_dma semaphore(%run_scoped3A_140 : memref<!tpu.dma_semaphore, #tpu.memory_space<semaphore_mem>>) src(%arg8 : memref<64x128xf32, #tpu.memory_space<vmem>>) dst(%dma_wait3A_152 : memref<10008x128xf32, #tpu.memory_space<vmem_shared>>)
        tpu.yield
      }) : () -> ()
      %add3A_114 = arith.constant 4 : i32
      %add3A_115 = arith.addi %add3A_89, %add3A_114 : i32
      %dma_start3A_116 = arith.constant 0 : i32
      %dma_start3A_117 = tpu.memref_slice %arg6[%add3A_115, %dma_start3A_116] : memref<160x128xi32, #tpu.memory_space<vmem>> -> memref<1x64xi32, #tpu.memory_space<vmem>>
      %dma_start3A_118 = tpu.memref_squeeze %dma_start3A_117 : memref<1x64xi32, #tpu.memory_space<vmem>> -> memref<64xi32, #tpu.memory_space<vmem>>
      %dma_start3A_119 = arith.constant 0 : i32
      %dma_start3A_120 = arith.constant 0 : i32
      %dma_start3A_121 = tpu.memref_slice %arg2[%dma_start3A_119, %dma_start3A_120] : memref<10000x128xf32, #tpu.memory_space<hbm>> -> memref<10000x128xf32, #tpu.memory_space<hbm>>
      tpu.enqueue_indirect_dma source(%dma_start3A_121 : memref<10000x128xf32, #tpu.memory_space<hbm>>) target(%arg8 : memref<64x128xf32, #tpu.memory_space<vmem>>) offsets(%dma_start3A_118 : memref<64xi32, #tpu.memory_space<vmem>>) semaphore(%arg12 : memref<!tpu.dma_semaphore, #tpu.memory_space<semaphore_mem>>)
      %add3A_122 = arith.constant 2 : i32
      %add3A_123 = arith.addi %add3A_89, %add3A_122 : i32
      %dma_wait3A_124 = arith.constant 0 : i32
      %dma_wait3A_125 = tpu.memref_slice %arg6[%add3A_123, %dma_wait3A_124] : memref<160x128xi32, #tpu.memory_space<vmem>> -> memref<1x64xi32, #tpu.memory_space<vmem>>
      %dma_wait3A_126 = tpu.memref_squeeze %dma_wait3A_125 : memref<1x64xi32, #tpu.memory_space<vmem>> -> memref<64xi32, #tpu.memory_space<vmem>>
      %dma_wait3A_127 = arith.constant 0 : i32
      %dma_wait3A_128 = arith.constant 0 : i32
      %dma_wait3A_129 = tpu.memref_slice %arg2[%dma_wait3A_127, %dma_wait3A_128] : memref<10000x128xf32, #tpu.memory_space<hbm>> -> memref<10000x128xf32, #tpu.memory_space<hbm>>
      tpu.wait_indirect_dma semaphore(%arg13 : memref<!tpu.dma_semaphore, #tpu.memory_space<semaphore_mem>>) src(%dma_wait3A_129 : memref<10000x128xf32, #tpu.memory_space<hbm>>) dst(%arg9 : memref<64x128xf32, #tpu.memory_space<vmem>>)
      %add3A_130 = arith.constant 2 : i32
      %add3A_131 = arith.addi %add3A_89, %add3A_130 : i32
      "tpu.region"() ({
        %run_scoped3A_140 = tpu.sem_alloc : memref<!tpu.dma_semaphore, #tpu.memory_space<semaphore_mem>>
        %dma_start3A_141 = arith.constant 64 : i32
        %dma_start3A_142 = tpu.memref_slice %arg6[%add3A_131, %dma_start3A_141] : memref<160x128xi32, #tpu.memory_space<vmem>> -> memref<1x64xi32, #tpu.memory_space<vmem>>
        %dma_start3A_143 = tpu.memref_squeeze %dma_start3A_142 : memref<1x64xi32, #tpu.memory_space<vmem>> -> memref<64xi32, #tpu.memory_space<vmem>>
        %dma_start3A_144 = arith.constant 0 : i32
        %dma_start3A_145 = arith.constant 0 : i32
        %dma_start3A_146 = tpu.memref_slice %arg10[%dma_start3A_144, %dma_start3A_145] : memref<10008x128xf32, #tpu.memory_space<vmem_shared>> -> memref<10008x128xf32, #tpu.memory_space<vmem_shared>>
        tpu.enqueue_indirect_dma source(%arg9 : memref<64x128xf32, #tpu.memory_space<vmem>>) target(%dma_start3A_146 : memref<10008x128xf32, #tpu.memory_space<vmem_shared>>) offsets(%dma_start3A_143 : memref<64xi32, #tpu.memory_space<vmem>>) semaphore(%run_scoped3A_140 : memref<!tpu.dma_semaphore, #tpu.memory_space<semaphore_mem>>) {add = true}
        %dma_wait3A_147 = arith.constant 64 : i32
        %dma_wait3A_148 = tpu.memref_slice %arg6[%add3A_131, %dma_wait3A_147] : memref<160x128xi32, #tpu.memory_space<vmem>> -> memref<1x64xi32, #tpu.memory_space<vmem>>
        %dma_wait3A_149 = tpu.memref_squeeze %dma_wait3A_148 : memref<1x64xi32, #tpu.memory_space<vmem>> -> memref<64xi32, #tpu.memory_space<vmem>>
        %dma_wait3A_150 = arith.constant 0 : i32
        %dma_wait3A_151 = arith.constant 0 : i32
        %dma_wait3A_152 = tpu.memref_slice %arg10[%dma_wait3A_150, %dma_wait3A_151] : memref<10008x128xf32, #tpu.memory_space<vmem_shared>> -> memref<10008x128xf32, #tpu.memory_space<vmem_shared>>
        tpu.wait_indirect_dma semaphore(%run_scoped3A_140 : memref<!tpu.dma_semaphore, #tpu.memory_space<semaphore_mem>>) src(%arg9 : memref<64x128xf32, #tpu.memory_space<vmem>>) dst(%dma_wait3A_152 : memref<10008x128xf32, #tpu.memory_space<vmem_shared>>)
        tpu.yield
      }) : () -> ()
      %add3A_132 = arith.constant 5 : i32
      %add3A_133 = arith.addi %add3A_89, %add3A_132 : i32
      %dma_start3A_134 = arith.constant 0 : i32
      %dma_start3A_135 = tpu.memref_slice %arg6[%add3A_133, %dma_start3A_134] : memref<160x128xi32, #tpu.memory_space<vmem>> -> memref<1x64xi32, #tpu.memory_space<vmem>>
      %dma_start3A_136 = tpu.memref_squeeze %dma_start3A_135 : memref<1x64xi32, #tpu.memory_space<vmem>> -> memref<64xi32, #tpu.memory_space<vmem>>
      %dma_start3A_137 = arith.constant 0 : i32
      %dma_start3A_138 = arith.constant 0 : i32
      %dma_start3A_139 = tpu.memref_slice %arg2[%dma_start3A_137, %dma_start3A_138] : memref<10000x128xf32, #tpu.memory_space<hbm>> -> memref<10000x128xf32, #tpu.memory_space<hbm>>
      tpu.enqueue_indirect_dma source(%dma_start3A_139 : memref<10000x128xf32, #tpu.memory_space<hbm>>) target(%arg9 : memref<64x128xf32, #tpu.memory_space<vmem>>) offsets(%dma_start3A_136 : memref<64xi32, #tpu.memory_space<vmem>>) semaphore(%arg13 : memref<!tpu.dma_semaphore, #tpu.memory_space<semaphore_mem>>)
    }
    %scan3A_37 = arith.constant 52 : i32
    %dma_wait3A_38 = arith.constant 156 : i32
    %dma_wait3A_39 = arith.constant 0 : i32
    %dma_wait3A_40 = tpu.memref_slice %arg6[%dma_wait3A_38, %dma_wait3A_39] : memref<160x128xi32, #tpu.memory_space<vmem>> -> memref<1x64xi32, #tpu.memory_space<vmem>>
    %dma_wait3A_41 = tpu.memref_squeeze %dma_wait3A_40 : memref<1x64xi32, #tpu.memory_space<vmem>> -> memref<64xi32, #tpu.memory_space<vmem>>
    %dma_wait3A_42 = arith.constant 0 : i32
    %dma_wait3A_43 = arith.constant 0 : i32
    %dma_wait3A_44 = tpu.memref_slice %arg2[%dma_wait3A_42, %dma_wait3A_43] : memref<10000x128xf32, #tpu.memory_space<hbm>> -> memref<10000x128xf32, #tpu.memory_space<hbm>>
    tpu.wait_indirect_dma semaphore(%arg11 : memref<!tpu.dma_semaphore, #tpu.memory_space<semaphore_mem>>) src(%dma_wait3A_44 : memref<10000x128xf32, #tpu.memory_space<hbm>>) dst(%arg7 : memref<64x128xf32, #tpu.memory_space<vmem>>)
    %run_scoped3A = arith.constant 156 : i32
    "tpu.region"() ({
      %run_scoped3A_85 = tpu.sem_alloc : memref<!tpu.dma_semaphore, #tpu.memory_space<semaphore_mem>>
      %dma_start3A_86 = arith.constant 64 : i32
      %dma_start3A_87 = tpu.memref_slice %arg6[%run_scoped3A, %dma_start3A_86] : memref<160x128xi32, #tpu.memory_space<vmem>> -> memref<1x64xi32, #tpu.memory_space<vmem>>
      %dma_start3A_88 = tpu.memref_squeeze %dma_start3A_87 : memref<1x64xi32, #tpu.memory_space<vmem>> -> memref<64xi32, #tpu.memory_space<vmem>>
      %dma_start3A_89 = arith.constant 0 : i32
      %dma_start3A_90 = arith.constant 0 : i32
      %dma_start3A_91 = tpu.memref_slice %arg10[%dma_start3A_89, %dma_start3A_90] : memref<10008x128xf32, #tpu.memory_space<vmem_shared>> -> memref<10008x128xf32, #tpu.memory_space<vmem_shared>>
      tpu.enqueue_indirect_dma source(%arg7 : memref<64x128xf32, #tpu.memory_space<vmem>>) target(%dma_start3A_91 : memref<10008x128xf32, #tpu.memory_space<vmem_shared>>) offsets(%dma_start3A_88 : memref<64xi32, #tpu.memory_space<vmem>>) semaphore(%run_scoped3A_85 : memref<!tpu.dma_semaphore, #tpu.memory_space<semaphore_mem>>) {add = true}
      %dma_wait3A_92 = arith.constant 64 : i32
      %dma_wait3A_93 = tpu.memref_slice %arg6[%run_scoped3A, %dma_wait3A_92] : memref<160x128xi32, #tpu.memory_space<vmem>> -> memref<1x64xi32, #tpu.memory_space<vmem>>
      %dma_wait3A_94 = tpu.memref_squeeze %dma_wait3A_93 : memref<1x64xi32, #tpu.memory_space<vmem>> -> memref<64xi32, #tpu.memory_space<vmem>>
      %dma_wait3A_95 = arith.constant 0 : i32
      %dma_wait3A_96 = arith.constant 0 : i32
      %dma_wait3A_97 = tpu.memref_slice %arg10[%dma_wait3A_95, %dma_wait3A_96] : memref<10008x128xf32, #tpu.memory_space<vmem_shared>> -> memref<10008x128xf32, #tpu.memory_space<vmem_shared>>
      tpu.wait_indirect_dma semaphore(%run_scoped3A_85 : memref<!tpu.dma_semaphore, #tpu.memory_space<semaphore_mem>>) src(%arg7 : memref<64x128xf32, #tpu.memory_space<vmem>>) dst(%dma_wait3A_97 : memref<10008x128xf32, #tpu.memory_space<vmem_shared>>)
      tpu.yield
    }) : () -> ()
    %dma_start3A_45 = arith.constant 159 : i32
    %dma_start3A_46 = arith.constant 0 : i32
    %dma_start3A_47 = tpu.memref_slice %arg6[%dma_start3A_45, %dma_start3A_46] : memref<160x128xi32, #tpu.memory_space<vmem>> -> memref<1x64xi32, #tpu.memory_space<vmem>>
    %dma_start3A_48 = tpu.memref_squeeze %dma_start3A_47 : memref<1x64xi32, #tpu.memory_space<vmem>> -> memref<64xi32, #tpu.memory_space<vmem>>
    %dma_start3A_49 = arith.constant 0 : i32
    %dma_start3A_50 = arith.constant 0 : i32
    %dma_start3A_51 = tpu.memref_slice %arg2[%dma_start3A_49, %dma_start3A_50] : memref<10000x128xf32, #tpu.memory_space<hbm>> -> memref<10000x128xf32, #tpu.memory_space<hbm>>
    tpu.enqueue_indirect_dma source(%dma_start3A_51 : memref<10000x128xf32, #tpu.memory_space<hbm>>) target(%arg7 : memref<64x128xf32, #tpu.memory_space<vmem>>) offsets(%dma_start3A_48 : memref<64xi32, #tpu.memory_space<vmem>>) semaphore(%arg11 : memref<!tpu.dma_semaphore, #tpu.memory_space<semaphore_mem>>)
    %dma_wait3A_52 = arith.constant 157 : i32
    %dma_wait3A_53 = arith.constant 0 : i32
    %dma_wait3A_54 = tpu.memref_slice %arg6[%dma_wait3A_52, %dma_wait3A_53] : memref<160x128xi32, #tpu.memory_space<vmem>> -> memref<1x64xi32, #tpu.memory_space<vmem>>
    %dma_wait3A_55 = tpu.memref_squeeze %dma_wait3A_54 : memref<1x64xi32, #tpu.memory_space<vmem>> -> memref<64xi32, #tpu.memory_space<vmem>>
    %dma_wait3A_56 = arith.constant 0 : i32
    %dma_wait3A_57 = arith.constant 0 : i32
    %dma_wait3A_58 = tpu.memref_slice %arg2[%dma_wait3A_56, %dma_wait3A_57] : memref<10000x128xf32, #tpu.memory_space<hbm>> -> memref<10000x128xf32, #tpu.memory_space<hbm>>
    tpu.wait_indirect_dma semaphore(%arg12 : memref<!tpu.dma_semaphore, #tpu.memory_space<semaphore_mem>>) src(%dma_wait3A_58 : memref<10000x128xf32, #tpu.memory_space<hbm>>) dst(%arg8 : memref<64x128xf32, #tpu.memory_space<vmem>>)
    %run_scoped3A_59 = arith.constant 157 : i32
    "tpu.region"() ({
      %run_scoped3A_85 = tpu.sem_alloc : memref<!tpu.dma_semaphore, #tpu.memory_space<semaphore_mem>>
      %dma_start3A_86 = arith.constant 64 : i32
      %dma_start3A_87 = tpu.memref_slice %arg6[%run_scoped3A_59, %dma_start3A_86] : memref<160x128xi32, #tpu.memory_space<vmem>> -> memref<1x64xi32, #tpu.memory_space<vmem>>
      %dma_start3A_88 = tpu.memref_squeeze %dma_start3A_87 : memref<1x64xi32, #tpu.memory_space<vmem>> -> memref<64xi32, #tpu.memory_space<vmem>>
      %dma_start3A_89 = arith.constant 0 : i32
      %dma_start3A_90 = arith.constant 0 : i32
      %dma_start3A_91 = tpu.memref_slice %arg10[%dma_start3A_89, %dma_start3A_90] : memref<10008x128xf32, #tpu.memory_space<vmem_shared>> -> memref<10008x128xf32, #tpu.memory_space<vmem_shared>>
      tpu.enqueue_indirect_dma source(%arg8 : memref<64x128xf32, #tpu.memory_space<vmem>>) target(%dma_start3A_91 : memref<10008x128xf32, #tpu.memory_space<vmem_shared>>) offsets(%dma_start3A_88 : memref<64xi32, #tpu.memory_space<vmem>>) semaphore(%run_scoped3A_85 : memref<!tpu.dma_semaphore, #tpu.memory_space<semaphore_mem>>) {add = true}
      %dma_wait3A_92 = arith.constant 64 : i32
      %dma_wait3A_93 = tpu.memref_slice %arg6[%run_scoped3A_59, %dma_wait3A_92] : memref<160x128xi32, #tpu.memory_space<vmem>> -> memref<1x64xi32, #tpu.memory_space<vmem>>
      %dma_wait3A_94 = tpu.memref_squeeze %dma_wait3A_93 : memref<1x64xi32, #tpu.memory_space<vmem>> -> memref<64xi32, #tpu.memory_space<vmem>>
      %dma_wait3A_95 = arith.constant 0 : i32
      %dma_wait3A_96 = arith.constant 0 : i32
      %dma_wait3A_97 = tpu.memref_slice %arg10[%dma_wait3A_95, %dma_wait3A_96] : memref<10008x128xf32, #tpu.memory_space<vmem_shared>> -> memref<10008x128xf32, #tpu.memory_space<vmem_shared>>
      tpu.wait_indirect_dma semaphore(%run_scoped3A_85 : memref<!tpu.dma_semaphore, #tpu.memory_space<semaphore_mem>>) src(%arg8 : memref<64x128xf32, #tpu.memory_space<vmem>>) dst(%dma_wait3A_97 : memref<10008x128xf32, #tpu.memory_space<vmem_shared>>)
      tpu.yield
    }) : () -> ()
    %dma_wait3A_60 = arith.constant 158 : i32
    %dma_wait3A_61 = arith.constant 0 : i32
    %dma_wait3A_62 = tpu.memref_slice %arg6[%dma_wait3A_60, %dma_wait3A_61] : memref<160x128xi32, #tpu.memory_space<vmem>> -> memref<1x64xi32, #tpu.memory_space<vmem>>
    %dma_wait3A_63 = tpu.memref_squeeze %dma_wait3A_62 : memref<1x64xi32, #tpu.memory_space<vmem>> -> memref<64xi32, #tpu.memory_space<vmem>>
    %dma_wait3A_64 = arith.constant 0 : i32
    %dma_wait3A_65 = arith.constant 0 : i32
    %dma_wait3A_66 = tpu.memref_slice %arg2[%dma_wait3A_64, %dma_wait3A_65] : memref<10000x128xf32, #tpu.memory_space<hbm>> -> memref<10000x128xf32, #tpu.memory_space<hbm>>
    tpu.wait_indirect_dma semaphore(%arg13 : memref<!tpu.dma_semaphore, #tpu.memory_space<semaphore_mem>>) src(%dma_wait3A_66 : memref<10000x128xf32, #tpu.memory_space<hbm>>) dst(%arg9 : memref<64x128xf32, #tpu.memory_space<vmem>>)
    %run_scoped3A_67 = arith.constant 158 : i32
    "tpu.region"() ({
      %run_scoped3A_85 = tpu.sem_alloc : memref<!tpu.dma_semaphore, #tpu.memory_space<semaphore_mem>>
      %dma_start3A_86 = arith.constant 64 : i32
      %dma_start3A_87 = tpu.memref_slice %arg6[%run_scoped3A_67, %dma_start3A_86] : memref<160x128xi32, #tpu.memory_space<vmem>> -> memref<1x64xi32, #tpu.memory_space<vmem>>
      %dma_start3A_88 = tpu.memref_squeeze %dma_start3A_87 : memref<1x64xi32, #tpu.memory_space<vmem>> -> memref<64xi32, #tpu.memory_space<vmem>>
      %dma_start3A_89 = arith.constant 0 : i32
      %dma_start3A_90 = arith.constant 0 : i32
      %dma_start3A_91 = tpu.memref_slice %arg10[%dma_start3A_89, %dma_start3A_90] : memref<10008x128xf32, #tpu.memory_space<vmem_shared>> -> memref<10008x128xf32, #tpu.memory_space<vmem_shared>>
      tpu.enqueue_indirect_dma source(%arg9 : memref<64x128xf32, #tpu.memory_space<vmem>>) target(%dma_start3A_91 : memref<10008x128xf32, #tpu.memory_space<vmem_shared>>) offsets(%dma_start3A_88 : memref<64xi32, #tpu.memory_space<vmem>>) semaphore(%run_scoped3A_85 : memref<!tpu.dma_semaphore, #tpu.memory_space<semaphore_mem>>) {add = true}
      %dma_wait3A_92 = arith.constant 64 : i32
      %dma_wait3A_93 = tpu.memref_slice %arg6[%run_scoped3A_67, %dma_wait3A_92] : memref<160x128xi32, #tpu.memory_space<vmem>> -> memref<1x64xi32, #tpu.memory_space<vmem>>
      %dma_wait3A_94 = tpu.memref_squeeze %dma_wait3A_93 : memref<1x64xi32, #tpu.memory_space<vmem>> -> memref<64xi32, #tpu.memory_space<vmem>>
      %dma_wait3A_95 = arith.constant 0 : i32
      %dma_wait3A_96 = arith.constant 0 : i32
      %dma_wait3A_97 = tpu.memref_slice %arg10[%dma_wait3A_95, %dma_wait3A_96] : memref<10008x128xf32, #tpu.memory_space<vmem_shared>> -> memref<10008x128xf32, #tpu.memory_space<vmem_shared>>
      tpu.wait_indirect_dma semaphore(%run_scoped3A_85 : memref<!tpu.dma_semaphore, #tpu.memory_space<semaphore_mem>>) src(%arg9 : memref<64x128xf32, #tpu.memory_space<vmem>>) dst(%dma_wait3A_97 : memref<10008x128xf32, #tpu.memory_space<vmem_shared>>)
      tpu.yield
    }) : () -> ()
    %dma_wait3A_68 = arith.constant 159 : i32
    %dma_wait3A_69 = arith.constant 0 : i32
    %dma_wait3A_70 = tpu.memref_slice %arg6[%dma_wait3A_68, %dma_wait3A_69] : memref<160x128xi32, #tpu.memory_space<vmem>> -> memref<1x64xi32, #tpu.memory_space<vmem>>
    %dma_wait3A_71 = tpu.memref_squeeze %dma_wait3A_70 : memref<1x64xi32, #tpu.memory_space<vmem>> -> memref<64xi32, #tpu.memory_space<vmem>>
    %dma_wait3A_72 = arith.constant 0 : i32
    %dma_wait3A_73 = arith.constant 0 : i32
    %dma_wait3A_74 = tpu.memref_slice %arg2[%dma_wait3A_72, %dma_wait3A_73] : memref<10000x128xf32, #tpu.memory_space<hbm>> -> memref<10000x128xf32, #tpu.memory_space<hbm>>
    tpu.wait_indirect_dma semaphore(%arg11 : memref<!tpu.dma_semaphore, #tpu.memory_space<semaphore_mem>>) src(%dma_wait3A_74 : memref<10000x128xf32, #tpu.memory_space<hbm>>) dst(%arg7 : memref<64x128xf32, #tpu.memory_space<vmem>>)
    %run_scoped3A_75 = arith.constant 159 : i32
    "tpu.region"() ({
      %run_scoped3A_85 = tpu.sem_alloc : memref<!tpu.dma_semaphore, #tpu.memory_space<semaphore_mem>>
      %dma_start3A_86 = arith.constant 64 : i32
      %dma_start3A_87 = tpu.memref_slice %arg6[%run_scoped3A_75, %dma_start3A_86] : memref<160x128xi32, #tpu.memory_space<vmem>> -> memref<1x64xi32, #tpu.memory_space<vmem>>
      %dma_start3A_88 = tpu.memref_squeeze %dma_start3A_87 : memref<1x64xi32, #tpu.memory_space<vmem>> -> memref<64xi32, #tpu.memory_space<vmem>>
      %dma_start3A_89 = arith.constant 0 : i32
      %dma_start3A_90 = arith.constant 0 : i32
      %dma_start3A_91 = tpu.memref_slice %arg10[%dma_start3A_89, %dma_start3A_90] : memref<10008x128xf32, #tpu.memory_space<vmem_shared>> -> memref<10008x128xf32, #tpu.memory_space<vmem_shared>>
      tpu.enqueue_indirect_dma source(%arg7 : memref<64x128xf32, #tpu.memory_space<vmem>>) target(%dma_start3A_91 : memref<10008x128xf32, #tpu.memory_space<vmem_shared>>) offsets(%dma_start3A_88 : memref<64xi32, #tpu.memory_space<vmem>>) semaphore(%run_scoped3A_85 : memref<!tpu.dma_semaphore, #tpu.memory_space<semaphore_mem>>) {add = true}
      %dma_wait3A_92 = arith.constant 64 : i32
      %dma_wait3A_93 = tpu.memref_slice %arg6[%run_scoped3A_75, %dma_wait3A_92] : memref<160x128xi32, #tpu.memory_space<vmem>> -> memref<1x64xi32, #tpu.memory_space<vmem>>
      %dma_wait3A_94 = tpu.memref_squeeze %dma_wait3A_93 : memref<1x64xi32, #tpu.memory_space<vmem>> -> memref<64xi32, #tpu.memory_space<vmem>>
      %dma_wait3A_95 = arith.constant 0 : i32
      %dma_wait3A_96 = arith.constant 0 : i32
      %dma_wait3A_97 = tpu.memref_slice %arg10[%dma_wait3A_95, %dma_wait3A_96] : memref<10008x128xf32, #tpu.memory_space<vmem_shared>> -> memref<10008x128xf32, #tpu.memory_space<vmem_shared>>
      tpu.wait_indirect_dma semaphore(%run_scoped3A_85 : memref<!tpu.dma_semaphore, #tpu.memory_space<semaphore_mem>>) src(%arg7 : memref<64x128xf32, #tpu.memory_space<vmem>>) dst(%dma_wait3A_97 : memref<10008x128xf32, #tpu.memory_space<vmem_shared>>)
      tpu.yield
    }) : () -> ()
    %barrier3A_76 = arith.constant 0 : index
    tpu.barrier barrier_id(%barrier3A_76)
    %mul3A_77 = arith.constant 10000 : i32
    %mul3A_78 = arith.muli %arg0, %mul3A_77 : i32
    %add3A_79 = arith.addi %mul3A_78, %mul3A_2 : i32
    "tpu.region"() ({
      %run_scoped3A_85 = tpu.sem_alloc : memref<!tpu.dma_semaphore, #tpu.memory_space<semaphore_mem>>
      %dma_start3A_86 = arith.constant 0 : i32
      %dma_start3A_87 = tpu.memref_slice %arg5[%add3A_79, %dma_start3A_86] : memref<20000x128xf32, #tpu.memory_space<hbm>> -> memref<624x128xf32, #tpu.memory_space<hbm>>
      %dma_start3A_88 = arith.constant 0 : i32
      %dma_start3A_89 = tpu.memref_slice %arg10[%mul3A_2, %dma_start3A_88] : memref<10008x128xf32, #tpu.memory_space<vmem_shared>> -> memref<624x128xf32, #tpu.memory_space<vmem_shared>>
      tpu.enqueue_dma source(%dma_start3A_89 : memref<624x128xf32, #tpu.memory_space<vmem_shared>>) target(%dma_start3A_87 : memref<624x128xf32, #tpu.memory_space<hbm>>) target_semaphore(%run_scoped3A_85 : memref<!tpu.dma_semaphore, #tpu.memory_space<semaphore_mem>>)
      %dma_wait3A_90 = arith.constant 0 : i32
      %dma_wait3A_91 = tpu.memref_slice %arg5[%add3A_79, %dma_wait3A_90] : memref<20000x128xf32, #tpu.memory_space<hbm>> -> memref<624x128xf32, #tpu.memory_space<hbm>>
      %dma_wait3A_92 = arith.constant 0 : i32
      %dma_wait3A_93 = tpu.memref_slice %arg10[%mul3A_2, %dma_wait3A_92] : memref<10008x128xf32, #tpu.memory_space<vmem_shared>> -> memref<624x128xf32, #tpu.memory_space<vmem_shared>>
      tpu.wait_dma2 semaphore(%run_scoped3A_85 : memref<!tpu.dma_semaphore, #tpu.memory_space<semaphore_mem>>) src(%dma_wait3A_93 : memref<624x128xf32, #tpu.memory_space<vmem_shared>>) dst(%dma_wait3A_91 : memref<624x128xf32, #tpu.memory_space<hbm>>)
      tpu.yield
    }) : () -> ()
    %eq3A_80 = arith.constant 15 : i32
    %eq3A_81 = arith.cmpi eq, %arg1, %eq3A_80 : i32
    %convert_element_type3A_82 = arith.extui %eq3A_81 : i1 to i32
    %cond3A_83 = arith.constant 0 : i32
    %cond3A_84 = arith.cmpi ne, %convert_element_type3A_82, %cond3A_83 : i32
    scf.if %cond3A_84 {
      %mul3A_85 = arith.constant 10000 : i32
      %mul3A_86 = arith.muli %arg0, %mul3A_85 : i32
      %add3A_87 = arith.constant 9984 : i32
      %add3A_88 = arith.addi %mul3A_86, %add3A_87 : i32
      "tpu.region"() ({
        %run_scoped3A_89 = tpu.sem_alloc : memref<!tpu.dma_semaphore, #tpu.memory_space<semaphore_mem>>
        %dma_start3A_90 = arith.constant 0 : i32
        %dma_start3A_91 = tpu.memref_slice %arg5[%add3A_88, %dma_start3A_90] : memref<20000x128xf32, #tpu.memory_space<hbm>> -> memref<16x128xf32, #tpu.memory_space<hbm>>
        %dma_start3A_92 = arith.constant 9984 : i32
        %dma_start3A_93 = arith.constant 0 : i32
        %dma_start3A_94 = tpu.memref_slice %arg10[%dma_start3A_92, %dma_start3A_93] : memref<10008x128xf32, #tpu.memory_space<vmem_shared>> -> memref<16x128xf32, #tpu.memory_space<vmem_shared>>
        tpu.enqueue_dma source(%dma_start3A_94 : memref<16x128xf32, #tpu.memory_space<vmem_shared>>) target(%dma_start3A_91 : memref<16x128xf32, #tpu.memory_space<hbm>>) target_semaphore(%run_scoped3A_89 : memref<!tpu.dma_semaphore, #tpu.memory_space<semaphore_mem>>)
        %dma_wait3A_95 = arith.constant 0 : i32
        %dma_wait3A_96 = tpu.memref_slice %arg5[%add3A_88, %dma_wait3A_95] : memref<20000x128xf32, #tpu.memory_space<hbm>> -> memref<16x128xf32, #tpu.memory_space<hbm>>
        %dma_wait3A_97 = arith.constant 9984 : i32
        %dma_wait3A_98 = arith.constant 0 : i32
        %dma_wait3A_99 = tpu.memref_slice %arg10[%dma_wait3A_97, %dma_wait3A_98] : memref<10008x128xf32, #tpu.memory_space<vmem_shared>> -> memref<16x128xf32, #tpu.memory_space<vmem_shared>>
        tpu.wait_dma2 semaphore(%run_scoped3A_89 : memref<!tpu.dma_semaphore, #tpu.memory_space<semaphore_mem>>) src(%dma_wait3A_99 : memref<16x128xf32, #tpu.memory_space<vmem_shared>>) dst(%dma_wait3A_96 : memref<16x128xf32, #tpu.memory_space<hbm>>)
        tpu.yield
      }) : () -> ()
    } else {
    }
    return
  }
}

module attributes {stable_mosaic.version = 14 : i64} {
  func.func @_mlp_body(%arg0: memref<2x10000x128xf32, #tpu.memory_space<vmem>>, %arg1: memref<10000x128xf32, #tpu.memory_space<vmem>>, %arg2: memref<1x1xf32, #tpu.memory_space<smem>>, %arg3: memref<128x128xf32, #tpu.memory_space<vmem>>, %arg4: memref<1x128xf32, #tpu.memory_space<vmem>>, %arg5: memref<1x128xf32, #tpu.memory_space<vmem>>, %arg6: memref<1x128xf32, #tpu.memory_space<vmem>>, %arg7: memref<128x128xf32, #tpu.memory_space<vmem>>, %arg8: memref<1x128xf32, #tpu.memory_space<vmem>>, %arg9: memref<1x128xf32, #tpu.memory_space<vmem>>, %arg10: memref<1x128xf32, #tpu.memory_space<vmem>>, %arg11: memref<10000x128xf32, #tpu.memory_space<vmem>>) attributes {dimension_semantics = [], scalar_prefetch = 0 : i64, scratch_operands = 0 : i64, tpu.core_type = #tpu.core_type<tc>} {
    %get3A = arith.constant 0 : index
    %get3A_0 = arith.constant 0 : index
    %get3A_1 = arith.constant 0 : index
    %get3A_2 = vector.load %arg0[%get3A, %get3A_0, %get3A_1] : memref<2x10000x128xf32, #tpu.memory_space<vmem>>, vector<1x10000x128xf32>
    %get3A_3 = vector.shape_cast %get3A_2 : vector<1x10000x128xf32> to vector<10000x128xf32>
    %get3A_4 = arith.constant 1 : index
    %get3A_5 = arith.constant 0 : index
    %get3A_6 = arith.constant 0 : index
    %get3A_7 = vector.load %arg0[%get3A_4, %get3A_5, %get3A_6] : memref<2x10000x128xf32, #tpu.memory_space<vmem>>, vector<1x10000x128xf32>
    %get3A_8 = vector.shape_cast %get3A_7 : vector<1x10000x128xf32> to vector<10000x128xf32>
    %add3A = arith.addf %get3A_3, %get3A_8 : vector<10000x128xf32>
    %get3A_9 = arith.constant 0 : index
    %get3A_10 = arith.constant 0 : index
    %get3A_11 = memref.load %arg2[%get3A_9, %get3A_10] : memref<1x1xf32, #tpu.memory_space<smem>>
    %get3A_12 = arith.constant 0 : index
    %get3A_13 = arith.constant 0 : index
    %get3A_14 = vector.load %arg1[%get3A_12, %get3A_13] : memref<10000x128xf32, #tpu.memory_space<vmem>>, vector<10000x128xf32>
    %mul3A = vector.broadcast %get3A_11 : f32 to vector<10000x128xf32>
    %mul3A_15 = arith.mulf %mul3A, %get3A_14 : vector<10000x128xf32>
    %add3A_16 = arith.addf %add3A, %mul3A_15 : vector<10000x128xf32>
    %swap3A = arith.constant 0 : index
    %swap3A_17 = arith.constant 0 : index
    %swap3A_18 = vector.load %arg11[%swap3A, %swap3A_17] : memref<10000x128xf32, #tpu.memory_space<vmem>>, vector<10000x128xf32>
    tpu.vector_store %arg11[%swap3A, %swap3A_17], %add3A_16 {strides = array<i32>} : memref<10000x128xf32, #tpu.memory_space<vmem>>, vector<10000x128xf32>,
    return
  }
}

module attributes {stable_mosaic.version = 14 : i64} {
  func.func @_mlp_body(%arg0: memref<2x10000x128xf32, #tpu.memory_space<vmem>>, %arg1: memref<10000x128xf32, #tpu.memory_space<vmem>>, %arg2: memref<1x1xf32, #tpu.memory_space<smem>>, %arg3: memref<128x128xf32, #tpu.memory_space<vmem>>, %arg4: memref<1x128xf32, #tpu.memory_space<vmem>>, %arg5: memref<1x128xf32, #tpu.memory_space<vmem>>, %arg6: memref<1x128xf32, #tpu.memory_space<vmem>>, %arg7: memref<128x128xf32, #tpu.memory_space<vmem>>, %arg8: memref<1x128xf32, #tpu.memory_space<vmem>>, %arg9: memref<1x128xf32, #tpu.memory_space<vmem>>, %arg10: memref<1x128xf32, #tpu.memory_space<vmem>>, %arg11: memref<10000x128xf32, #tpu.memory_space<vmem>>) attributes {dimension_semantics = [], scalar_prefetch = 0 : i64, scratch_operands = 0 : i64, tpu.core_type = #tpu.core_type<tc>} {
    %get3A = arith.constant 0 : index
    %get3A_0 = arith.constant 0 : index
    %get3A_1 = arith.constant 0 : index
    %get3A_2 = vector.load %arg0[%get3A, %get3A_0, %get3A_1] : memref<2x10000x128xf32, #tpu.memory_space<vmem>>, vector<1x10000x128xf32>
    %get3A_3 = vector.shape_cast %get3A_2 : vector<1x10000x128xf32> to vector<10000x128xf32>
    %get3A_4 = arith.constant 1 : index
    %get3A_5 = arith.constant 0 : index
    %get3A_6 = arith.constant 0 : index
    %get3A_7 = vector.load %arg0[%get3A_4, %get3A_5, %get3A_6] : memref<2x10000x128xf32, #tpu.memory_space<vmem>>, vector<1x10000x128xf32>
    %get3A_8 = vector.shape_cast %get3A_7 : vector<1x10000x128xf32> to vector<10000x128xf32>
    %add3A = arith.addf %get3A_3, %get3A_8 : vector<10000x128xf32>
    %get3A_9 = arith.constant 0 : index
    %get3A_10 = arith.constant 0 : index
    %get3A_11 = memref.load %arg2[%get3A_9, %get3A_10] : memref<1x1xf32, #tpu.memory_space<smem>>
    %get3A_12 = arith.constant 0 : index
    %get3A_13 = arith.constant 0 : index
    %get3A_14 = vector.load %arg1[%get3A_12, %get3A_13] : memref<10000x128xf32, #tpu.memory_space<vmem>>, vector<10000x128xf32>
    %mul3A = vector.broadcast %get3A_11 : f32 to vector<10000x128xf32>
    %mul3A_15 = arith.mulf %mul3A, %get3A_14 : vector<10000x128xf32>
    %add3A_16 = arith.addf %add3A, %mul3A_15 : vector<10000x128xf32>
    %swap3A = arith.constant 0 : index
    %swap3A_17 = arith.constant 0 : index
    %swap3A_18 = vector.load %arg11[%swap3A, %swap3A_17] : memref<10000x128xf32, #tpu.memory_space<vmem>>, vector<10000x128xf32>
    tpu.vector_store %arg11[%swap3A, %swap3A_17], %add3A_16 {strides = array<i32>} : memref<10000x128xf32, #tpu.memory_space<vmem>>, vector<10000x128xf32>,
    return
  }
}

</mosaic_0001>

<sc_bundles>
// kernel: kernel.11.cloned.1.call-start
scs
__scs_entry_jumppad:
0x0: {  	(pc) =	sbr.rel $0x88, $3  }
0x1: {  	(tag) =	ssettag $0x0;
	lr =	simm.s32 $0x1  }
0x2: {  	[smem:$0x3F96] =	sst lr;
	_ =	strace $0xD0000000  }
0x3: {  	_ = 	snop  }
0x4: {  	_ = 	snop  }
0x5: {  	_ = 	snop  }
0x6: {  	_ = 	snop  }
0x7: {  	_ = 	snop  }
__scs_overlays_trampoline_lowered:
0x8: {  	[smem:$0x3FA5] =	sst s0  }
0x9: {  	[smem:$0x3FA6] =	sst s1  }
0xa: {  	[smem:$0x3FA7] =	sst s2  }
0xb: {  	[smem:$0x3FA8] =	sst s3  }
0xc: {  	[smem:$0x3FA9] =	sst s4  }
0xd: {  	[smem:$0x3FAA] =	sst s5  }
0xe: {  	[smem:$0x3FAB] =	sst s6  }
0xf: {  	[smem:$0x3FAC] =	sst s7  }
0x10: {  	[smem:$0x3FAD] =	sst s8  }
0x11: {  	[smem:$0x3FAE] =	sst s9;
	s0 =	simm.s32 @!p0 $0x0  }
0x12: {  	s1 =	sld [smem:$0x3F94];
	s0 =	simm.s32 @p0 $0x1  }
0x13: {  	[smem:$0x3FAF] =	sst s0;
	s0 =	simm.s32 @!p1 $0x0  }
0x14: {  	s2 =	sld [smem:$0x3F93];
	s0 =	simm.s32 @p1 $0x1  }
0x15: {  	[smem:$0x3FB0] =	sst s0;
	s0 =	simm.s32 @!p2 $0x0  }
0x16: {  	s3 =	sld [smem:$0x3FDB];
	s0 =	simm.s32 @p2 $0x1  }
0x17: {  	s4 =	simm.s32 $0x1BF5;
	[smem:$0x3FB2] =	sst s0  }
0x18: {  	s0 =	sld [smem:$0x3F95];
	_ =	swait.ge [sflag:s4], $0x0  }
0x19: {  	s7 =	sld [smem:$0x3F96]  }
0x1a: {  	s8 =	sadd.s32 $0xFFFFE003, lr  }
0x1b: {  	s9 =	sadd.s32 $0xFFFFFEF7, lr;
	s5 =	simm.s32 $0xFFFFFFFF;
	p2 =	slt.u32 s8, $0xFFFFF086  }
0x1c: {  	p1 =	slt.u32 s9, $0xF7A;
	s5 =	simm.s32 @!p2 $0x0  }
0x1d: {  	s5 =	simm.s32 @p1 $0x1;
	p0 =	seq.s32 s7, s2  }
0x1e: {  	s7 =	smul.u32 @!p0 $0xF7A, s2;
	p2 =	seq.s32 @!p0 s5, $0x0  }
0x1f: {  	s9 =	smul.u32 $0xF7A, s1;
	s8 =	simm.s32 @!p0 $0x1BF5;
	p2 =	por !p2, p0  }
0x20: {  	[sflag:s8] =	ssyncset.s32 @!p0 $0xFFFFF086;
	s6 =	sadd.s32 @!p0 s3, s7;
	s7 =	simm.s32 @!p0 $0x108  }
0x21: {  	s3 =	sadd.s32 s3, s9;
	s6 =	sadd.s32 @!p0 $0x88, s6;
	s7 =	simm.s32 @p2 $0x1082  }
0x22: {  	[simem:s7], [sflag:s8] =	dma.local @!p0 [hbm:s6], $0xF7A  }
0x23: {  	s9 =	sor.u32 $0xD0000000, s2;
	s6 =	simm.s32 $0x108;
	_ =	swait.ge @!p0 [sflag:s8], $0x0  }
0x24: {  	s3 =	sadd.s32 $0x88, s3;
	s6 =	simm.s32 @!p1 $0x1082;
	[sflag:s4] =	ssyncset.s32 $0xFFFFF086  }
0x25: {  	[simem:s6], [sflag:s4] =	dma.local [hbm:s3], $0xF7A  }
0x26: {  	[smem:$0x3F96] =	sst s1;
	(tag) =	ssettag s2;
	_ =	strace s9  }
0x27: {  	s1 =	sld [smem:$0x3FA6]  }
0x28: {  	s2 =	sld [smem:$0x3FA7]  }
0x29: {  	s4 =	sld [smem:$0x3FA9]  }
0x2a: {  	p0 =	seq.s32 s5, $0x0;
	s5 =	sld [smem:$0x3FAA]  }
0x2b: {  	s6 =	sld [smem:$0x3FAB]  }
0x2c: {  	s7 =	sld [smem:$0x3FAC]  }
0x2d: {  	s3 =	simm.s32 $0x108;
	s8 =	sld [smem:$0x3FAD]  }
0x2e: {  	s3 =	simm.s32 @!p0 $0x1082;
	s9 =	sld [smem:$0x3FAE]  }
0x2f: {  	lr =	sadd.s32 s0, s3;
	s0 =	sld [smem:$0x3FA5]  }
0x30: {  	s3 =	sld [smem:$0x3FA8]  }
0x31: {  	[smem:$0x3FB1] =	sst s10  }
0x32: {  	s10 =	sld [smem:$0x3FAF];
	_ =	sdelay $0x3  }
0x33: {  	p0 =	seq.s32 s10, $0x1;
	s10 =	sld [smem:$0x3FB1];
	_ =	sdelay $0x3  }
0x34: {  	[smem:$0x3FB1] =	sst s10  }
0x35: {  	s10 =	sld [smem:$0x3FB0];
	_ =	sdelay $0x3  }
0x36: {  	p1 =	seq.s32 s10, $0x1;
	s10 =	sld [smem:$0x3FB1];
	_ =	sdelay $0x3  }
0x37: {  	[smem:$0x3FB1] =	sst s10  }
0x38: {  	s10 =	sld [smem:$0x3FB2]  }
0x39: {  	_ = 	snop;
	(pc) =	sbr.ind lr, $3  }
0x3a: {  	_ = 	snop  }
0x3b: {  	_ = 	snop  }
0x3c: {  	p2 =	seq.s32 s10, $0x1;
	s10 =	sld [smem:$0x3FB1]  }
0x3d: {  	_ =	shalt  }
0x3e: {  	_ =	shalt  }
0x3f: {  	_ =	shalt  }
0x40: {  	_ =	shalt  }
0x41: {  	_ =	shalt  }
0x42: {  	_ =	shalt  }
0x43: {  	_ =	shalt  }
0x44: {  	_ =	shalt  }
0x45: {  	_ =	shalt  }
0x46: {  	_ =	shalt  }
0x47: {  	_ =	shalt  }
0x48: {  	_ =	shalt  }
0x49: {  	_ =	shalt  }
0x4a: {  	_ =	shalt  }
0x4b: {  	_ =	shalt  }
0x4c: {  	_ =	shalt  }
0x4d: {  	_ =	shalt  }
0x4e: {  	_ =	shalt  }
0x4f: {  	_ =	shalt  }
0x50: {  	_ =	shalt  }
0x51: {  	_ =	shalt  }
0x52: {  	_ =	shalt  }
0x53: {  	_ =	shalt  }
0x54: {  	_ =	shalt  }
0x55: {  	_ =	shalt  }
0x56: {  	_ =	shalt  }
0x57: {  	_ =	shalt  }
0x58: {  	_ =	shalt  }
0x59: {  	_ =	shalt  }
0x5a: {  	_ =	shalt  }
0x5b: {  	_ =	shalt  }
0x5c: {  	_ =	shalt  }
0x5d: {  	_ =	shalt  }
0x5e: {  	_ =	shalt  }
0x5f: {  	_ =	shalt  }
0x60: {  	_ =	shalt  }
0x61: {  	_ =	shalt  }
0x62: {  	_ =	shalt  }
0x63: {  	_ =	shalt  }
0x64: {  	_ =	shalt  }
0x65: {  	_ =	shalt  }
0x66: {  	_ =	shalt  }
0x67: {  	_ =	shalt  }
0x68: {  	_ =	shalt  }
0x69: {  	_ =	shalt  }
0x6a: {  	_ =	shalt  }
0x6b: {  	_ =	shalt  }
0x6c: {  	_ =	shalt  }
0x6d: {  	_ =	shalt  }
0x6e: {  	_ =	shalt  }
0x6f: {  	_ =	shalt  }
0x70: {  	_ =	shalt  }
0x71: {  	_ =	shalt  }
0x72: {  	_ =	shalt  }
0x73: {  	_ =	shalt  }
0x74: {  	_ =	shalt  }
0x75: {  	_ =	shalt  }
0x76: {  	_ =	shalt  }
0x77: {  	_ =	shalt  }
0x78: {  	_ =	shalt  }
0x79: {  	_ =	shalt  }
0x7a: {  	_ =	shalt  }
0x7b: {  	_ =	shalt  }
0x7c: {  	_ =	shalt  }
0x7d: {  	_ =	shalt  }
0x7e: {  	_ =	shalt  }
0x7f: {  	_ =	shalt  }
0x80: {  	_ =	shalt  }
0x81: {  	_ =	shalt  }
0x82: {  	_ =	shalt  }
0x83: {  	_ =	shalt  }
0x84: {  	_ =	shalt  }
0x85: {  	_ =	shalt  }
0x86: {  	_ =	shalt  }
0x87: {  	_ =	shalt  }
.Lfunc_end0:
.L_simem_size_0:
called_computation.1_lowered:
.L_overlay_start_0:
0x88: {  	s2 =	sld [smem:$0x3FD9]  }
0x89: {  	s3 =	sld [smem:$0x3FFE];
	_ =	sdelay $0x1  }
0x8a: {  	s1 =	srdreg.scid  }
0x8b: {  	s0 =	sand.u32 $0x1, s1  }
0x8c: {  	s17 =	sshll.u32 s0, $0xA;
	s2 =	sadd.s32 s3, s2  }
0x8d: {  	s2 =	sadd.s32 s2, s17  }
0x8e: {  	[smem:$0x3FBD] =	sst s2  }
0x8f: {  	_ = 	snop  }
0x90: {  	s2 =	sld [smem:$0x3FD0];
	(tm) =	ssettm $0x1  }
0x91: {  	s18 =	sld [smem:$0x3FFB];
	_ =	sdelay $0x3  }
0x92: {  	_ =	strace s18  }
0x93: {  	s3 =	sld [smem:$0x3FFC];
	_ =	sdelay $0x3  }
0x94: {  	_ =	strace s3  }
0x95: {  	s3 =	sld [smem:$0x3FFD];
	_ =	sdelay $0x3  }
0x96: {  	_ =	strace s3  }
0x97: {  	_ =	strace $0x8FFFFFFF  }
0x98: {  	s19 =	sld [smem:$0x3FDB];
	_ =	sdelay $0x1  }
0x99: {  	s4 =	simm.s32 $_scs_section_size  }
0x9a: {  	s5 =	simm.s32 $_size__tile_overlayer_lowered;
	s6 =	simm.s32 $_tile_overlayer_lowered  }
0x9b: {  	s22 =	simm.s32 $0x1BFF;
	s21 =	sshll.u32 s6, $0x1;
	s3 =	sadd.s32 s4, s19  }
0x9c: {  	s7 =	simm.s32 $0x0;
	s20 =	sshll.u32 s5, $0x1;
	s5 =	sadd.s32 s21, s3  }
0x9d: {  	[timem:s7], [sflag:s22] =	dma.local [hbm:s5], s20  }
0x9e: {  	_ =	swait.ge [sflag:s22], s20  }
0x9f: {  	s4 =	ssub.s32 $0x0, s20;
	[sflag:s22] =	ssyncset.done $0x0  }
0xa0: {  	[sflag:s22] =	ssyncadd.s32 s4;
	_ =	sdelay $0x1  }
0xa1: {  	s23 =	simm.s32 $0x1B8B  }
0xa2: {  	_ =	swait.ge [sflag:s23], $0x1  }
0xa3: {  	[sflag:s23] =	ssyncset.done $0x0  }
0xa4: {  	s25 =	simm.s32 $0x1B8E;
	s24 =	sld [smem:$0x3FFE];
	[sflag:s23] =	ssyncadd.s32 $0xFFFFFFFF  }
0xa5: {  	s26 =	simm.s32 $execute0_lowered;
	[smem:$0x3FD2] =	sst s25  }
0xa6: {  	s5 =	sshll.u32 s26, $0x1;
	_ =	strace $0x80000049;
	[dreg:$0x1] =	wrdreg $0xFFFFFFFF  }
0xa7: {  	s28 =	simm.s32 $_size_execute0_lowered;
	s3 =	sadd.s32 s3, s5;
	[dreg:$0x0] =	wrdreg $0x0  }
0xa8: {  	s5 =	sshll.u32 s28, $0x1;
	[dreg:$0x2] =	wrdreg s3  }
0xa9: {  	[dreg:$0x3] =	wrdreg s5  }
0xaa: {  	[dreg:$0x4] =	wrdreg $0xC0  }
0xab: {  	_ =	task [dreg:s7], $0x5FFFF  }
0xac: {  	[dreg:$0x1] =	wrdreg $0xFFFFFFFF  }
0xad: {  	[dreg:$0x0] =	wrdreg $0x60  }
0xae: {  	[dreg:$0x2] =	wrdreg s2  }
0xaf: {  	[dreg:$0x3] =	wrdreg s24  }
0xb0: {  	[dreg:$0x4] =	wrdreg $0xB0000  }
0xb1: {  	[dreg:$0x5] =	wrdreg $0x9  }
0xb2: {  	_ =	task.clear_ibuf [dreg:s7], $0x6FFFF;
	_ =	strace $0x90000049  }
0xb3: {  	s29 =	simm.s32 $0x9;
	_ =	strace $0x8000004B  }
0xb4: {  	_ =	swait.ge [sflag:s29], $0x1  }
0xb5: {  	[sflag:s29] =	ssyncadd.s32 $0xFFFFFFFF  }
0xb6: {  	_ =	strace $0x9000004B  }
0xb7: {  	_ =	sfence  }
0xb8: {  	s30 =	sld [smem:$0x0];
	_ =	sdelay $0x2  }
0xb9: {  	s31 =	sshll.u32 s1, $0xD;
	s1 =	sshrl.u32 s1, $0x2  }
0xba: {  	s3 =	sand.u32 $0x4000, s31;
	s1 =	sadd.s32 s1, s30  }
0xbb: {  	s0 =	sor.u32 s3, s0;
	s1 =	sshll.u32 s1, $0x11  }
0xbc: {  	s0 =	sor.u32 s1, s0  }
0xbd: {  	s0 =	sadd.s32 $0x8F2B, s0  }
0xbe: {  	[sflag:s0] =	ssyncadd.remote.s32 $0x1  }
0xbf: {  	_ =	sfence.sel $0xFFFF  }
0xc0: {  	[dreg:$0x0] =	wrdreg $0xFFFFFFFF;
	(pc) =	sbr.abs _section_cstart, $3  }
0xc1: {  	[dreg:$0x1] =	wrdreg $0xFFFFFFFF  }
0xc2: {  	_ =	task.clear_ibuf [dreg:s7], $0x2FFFF;
	_ =	strace $0x9FFFFFFF  }
0xc3: {  	(tm) =	ssettm $0x7FFFFFFF  }
tec
execute0_lowered:
.L_overlay_start_1:
0x0: {  	(tag) =	ssettag $0x1  }
0x1: {  	s1 =	rddreg [dreg:$0x0]  }
0x2: {  	s0 =	srdreg.scid;
	s2 =	rddreg [dreg:$0x1]  }
0x3: {  	s16 =	stileid.u32;
	s3 =	rddreg [dreg:$0x2];
	s17 =	simm.s32 $0x40  }
0x4: {  	s18 =	simm.s32 $0x5000;
	s20 =	simm.s32 $0x7000;
	s22 =	simm.s32 $0x9000  }
0x5: {  	s23 =	simm.s32 $0x1;
	s28 =	simm.s32 $0x4F80;
	s29 =	simm.s32 $0x4EC0  }
0x6: {  	s30 =	simm.s32 $0x4F40;
	s31 =	simm.s32 $0x4FC0;
	s9 =	smul.u32 $0x2700, s16  }
0x7: {  	s0 =	sand.u32 $0x1, s0;
	s4 =	sshll.u32 s16, $0x1;
	s6 =	smul.u32 $0x4E000, s16  }
0x8: {  	s11 =	sadd.s32 $0x3E800, s2;
	s14 =	sadd.s32 $0x138000, s3;
	p0 =	sne.s32 s16, $0xF  }
0x9: {  	s5 =	sor.u32 s0, s4;
	s4 =	simm.s32 $0x0;
	s25 =	smul.u32 $0x138800, s0  }
0xa: {  	s7 =	ssub.s32 $0x2, s0;
	s0 =	smul.u32 $0x27100, s0;
	s14 =	sshrl.u32 @!p0 s14, $0x3  }
0xb: {  	s5 =	smul.u32 $0xA00, s5;
	[smem:$0x7FF] =	sst s4;
	s24 =	sadd.s32 s9, s2  }
0xc: {  	s8 =	sshrl.u32 s7, $0x1;
	s6 =	sshrl.u32 s6, $0x2;
	_ =	strace $0x8000004A  }
0xd: {  	s12 =	ssub.s32 s7, s8;
	s13 =	sadd.s32 s6, s3;
	s6 =	sshll.u32 s16, $0x6  }
0xe: {  	s15 =	sshrl.u32 s25, $0x3;
	s8 =	sadd.s32 $0x3E600, s2;
	s0 =	sadd.s32 s9, s0  }
0xf: {  	s16 =	simm.s32 $0x4;
	s25 =	simm.s32 $0x3;
	s10 =	sadd.s32 s5, s2  }
0x10: {  	s5 =	sadd.s32 $0x17600, s24;
	s7 =	sor.u32 $0x1C04, s6;
	s26 =	sadd.s32 s11, s15  }
0x11: {  	s12 =	smax.u32 s12, $0x1;
	s13 =	sshrl.u32 s13, $0x3;
	s15 =	simm.s32 $0x5  }
0x12: {  	s24 =	simm.s32 $0x2;
	s2 =	simm.s32 $0x0;
	s9 =	sadd.s32 $0x3600, s10  }
0x13: {  	s10 =	sadd.s32 s11, s0;
	s11 =	sadd.s32 $0x27000, s26;
	s26 =	simm.s32 $0x4E40  }
.LBB2_1:
0x14: {  	[spmem:s13], [sflag:s7] =	dma.local [hbm:s5], $0x2700  }
0x15: {  	s0 =	simm.s32 @!p0 $0x4  }
0x16: {  	[spmem:s14], [sflag:s7] =	dma.local @!p0 [hbm:s8], $0x180  }
0x17: {  	_ =	swait.ge @!p0 [sflag:s0], $0x180  }
0x18: {  	[sflag:s0] =	ssyncset.done @!p0 $0x0  }
0x19: {  	[sflag:s0] =	ssyncadd.s32 @!p0 $0xFFFFFE80  }
0x1a: {  	[tilespmem:s4], [sflag:$0x5] =	stream.linear.gather [hbm4b:s9+s4], $0x5000, $0x38;
	[tilespmem:$0x1E8C0] =	vst v63  }
0x1b: {  	_ =	swait.ge [sflag:s15], $0x5000  }
0x1c: {  	[sflag:s15] =	ssyncset.done $0x0  }
0x1d: {  	[sflag:s15] =	ssyncadd.s32 $0xFFFFB000  }
0x1e: {  	_ =	swait.ge [sflag:s16], $0x2700  }
0x1f: {  	[sflag:s16] =	ssyncset.done $0x0  }
0x20: {  	[sflag:s16] =	ssyncadd.s32 $0xFFFFD900  }
0x21: {  	[bflag:$0x0] =	sbarrier.arrive $0xFFFF  }
0x22: {  	[tilespmem:s18], [sflag:$0x1] =	stream.indirect.gather [hbm4b:s1+s17], $0x80, s4, s17, $0xb8;
	[tilespmem:$0x1E8C0] =	vst v63  }
0x23: {  	s21 =	simm.s32 $0x80  }
0x24: {  	[tilespmem:s20], [sflag:$0x2] =	stream.indirect.gather [hbm4b:s1+s17], $0x80, s21, s17, $0xb8;
	[tilespmem:$0x1E8C0] =	vst v63  }
0x25: {  	s19 =	simm.s32 $0x100  }
0x26: {  	[tilespmem:s22], [sflag:$0x3] =	stream.indirect.gather [hbm4b:s1+s17], $0x80, s19, s17, $0xb8;
	[tilespmem:$0x1E8C0] =	vst v63  }
0x27: {  	_ =	swait.ge [sflag:s23], $0x2000  }
0x28: {  	[sflag:s23] =	ssyncset.done $0x0  }
0x29: {  	s21 =	simm.s32 $0x40;
	[sflag:s23] =	ssyncadd.s32 $0xFFFFE000  }
0x2a: {  	[spmem:s3] =	stream.indirect.scatter.add.f32 [tilespmem:s18], [sflag:$0x5], $0x80, s21, s17, $0xb8;
	[tilespmem:$0x1E8C0] =	vst v63  }
0x2b: {  	_ =	swait.ge [sflag:s15], $0x2000  }
0x2c: {  	[sflag:s15] =	ssyncset.done $0x0  }
0x2d: {  	s19 =	simm.s32 $0x180;
	[sflag:s15] =	ssyncadd.s32 $0xFFFFE000  }
0x2e: {  	[tilespmem:s18], [sflag:$0x1] =	stream.indirect.gather [hbm4b:s1+s17], $0x80, s19, s17, $0xb8;
	[tilespmem:$0x1E8C0] =	vst v63  }
0x2f: {  	_ =	swait.ge [sflag:s24], $0x2000  }
0x30: {  	[sflag:s24] =	ssyncset.done $0x0  }
0x31: {  	s21 =	simm.s32 $0xC0;
	[sflag:s24] =	ssyncadd.s32 $0xFFFFE000  }
0x32: {  	[spmem:s3] =	stream.indirect.scatter.add.f32 [tilespmem:s20], [sflag:$0x5], $0x80, s21, s17, $0xb8;
	[tilespmem:$0x1E8C0] =	vst v63  }
0x33: {  	_ =	swait.ge [sflag:s15], $0x2000  }
0x34: {  	[sflag:s15] =	ssyncset.done $0x0  }
0x35: {  	s19 =	simm.s32 $0x200;
	[sflag:s15] =	ssyncadd.s32 $0xFFFFE000  }
0x36: {  	[tilespmem:s20], [sflag:$0x2] =	stream.indirect.gather [hbm4b:s1+s17], $0x80, s19, s17, $0xb8;
	[tilespmem:$0x1E8C0] =	vst v63  }
0x37: {  	_ =	swait.ge [sflag:s25], $0x2000  }
0x38: {  	[sflag:s25] =	ssyncset.done $0x0  }
0x39: {  	s21 =	simm.s32 $0x140;
	[sflag:s25] =	ssyncadd.s32 $0xFFFFE000  }
0x3a: {  	[spmem:s3] =	stream.indirect.scatter.add.f32 [tilespmem:s22], [sflag:$0x5], $0x80, s21, s17, $0xb8;
	[tilespmem:$0x1E8C0] =	vst v63  }
0x3b: {  	_ =	swait.ge [sflag:s15], $0x2000  }
0x3c: {  	[sflag:s15] =	ssyncset.done $0x0  }
0x3d: {  	s0 =	simm.s32 $0x600;
	s19 =	simm.s32 $0x280;
	[sflag:s15] =	ssyncadd.s32 $0xFFFFE000  }
.LBB2_2:
0x3e: {  	[tilespmem:s22], [sflag:$0x3] =	stream.indirect.gather [hbm4b:s1+s17], $0x80, s19, s17, $0xb8;
	[tilespmem:$0x1E8C0] =	vst v63  }
0x3f: {  	s19 =	smov.u32 s0  }
0x40: {  	p1 =	sne.s32 s0, $0x13200;
	s0 =	sadd.s32 $0x600, s0;
	_ =	swait.ge [sflag:s23], $0x2000  }
0x41: {  	s19 =	sshra.s32 s19, $0x2;
	[sflag:s23] =	ssyncset.done $0x0  }
0x42: {  	s21 =	sadd.s32 $0x40, s19;
	[sflag:s23] =	ssyncadd.s32 $0xFFFFE000  }
0x43: {  	[spmem:s3] =	stream.indirect.scatter.add.f32 [tilespmem:s18], [sflag:$0x5], $0x80, s21, s17, $0xb8;
	[tilespmem:$0x1E8C0] =	vst v63  }
0x44: {  	_ =	swait.ge [sflag:s15], $0x2000  }
0x45: {  	[sflag:s15] =	ssyncset.done $0x0  }
0x46: {  	s21 =	sadd.s32 $0x180, s19;
	[sflag:s15] =	ssyncadd.s32 $0xFFFFE000  }
0x47: {  	[tilespmem:s18], [sflag:$0x1] =	stream.indirect.gather [hbm4b:s1+s17], $0x80, s21, s17, $0xb8;
	[tilespmem:$0x1E8C0] =	vst v63  }
0x48: {  	_ =	swait.ge [sflag:s24], $0x2000  }
0x49: {  	[sflag:s24] =	ssyncset.done $0x0  }
0x4a: {  	s21 =	sadd.s32 $0xC0, s19;
	[sflag:s24] =	ssyncadd.s32 $0xFFFFE000  }
0x4b: {  	[spmem:s3] =	stream.indirect.scatter.add.f32 [tilespmem:s20], [sflag:$0x5], $0x80, s21, s17, $0xb8;
	[tilespmem:$0x1E8C0] =	vst v63  }
0x4c: {  	_ =	swait.ge [sflag:s15], $0x2000  }
0x4d: {  	[sflag:s15] =	ssyncset.done $0x0  }
0x4e: {  	s21 =	sadd.s32 $0x200, s19;
	[sflag:s15] =	ssyncadd.s32 $0xFFFFE000  }
0x4f: {  	[tilespmem:s20], [sflag:$0x2] =	stream.indirect.gather [hbm4b:s1+s17], $0x80, s21, s17, $0xb8;
	[tilespmem:$0x1E8C0] =	vst v63  }
0x50: {  	_ =	swait.ge [sflag:s25], $0x2000  }
0x51: {  	[sflag:s25] =	ssyncset.done $0x0  }
.Ltmp0:
0x52: {  	s21 =	sadd.s32 $0x140, s19;
	[sflag:s25] =	ssyncadd.s32 $0xFFFFE000;
	(pc) =	sbr.rel @p1 .LBB2_2-.Ltmp0, $4  }
0x53: {  	[spmem:s3] =	stream.indirect.scatter.add.f32 [tilespmem:s22], [sflag:$0x5], $0x80, s21, s17, $0xb8;
	[tilespmem:$0x1E8C0] =	vst v63  }
0x54: {  	_ =	swait.ge [sflag:s15], $0x2000  }
0x55: {  	[sflag:s15] =	ssyncset.done $0x0  }
0x56: {  	s19 =	sadd.s32 $0x280, s19;
	[sflag:s15] =	ssyncadd.s32 $0xFFFFE000  }
0x57: {  	[tilespmem:s22], [sflag:$0x3] =	stream.indirect.gather [hbm4b:s1+s17], $0x80, s19, s17, $0xb8;
	[tilespmem:$0x1E8C0] =	vst v63  }
0x58: {  	_ =	swait.ge [sflag:s23], $0x2000  }
0x59: {  	[sflag:s23] =	ssyncset.done $0x0  }
0x5a: {  	[sflag:s23] =	ssyncadd.s32 $0xFFFFE000  }
0x5b: {  	[spmem:s3] =	stream.indirect.scatter.add.f32 [tilespmem:s18], [sflag:$0x5], $0x80, s26, s17, $0xb8;
	[tilespmem:$0x1E8C0] =	vst v63  }
0x5c: {  	_ =	swait.ge [sflag:s15], $0x2000  }
0x5d: {  	[sflag:s15] =	ssyncset.done $0x0  }
0x5e: {  	[sflag:s15] =	ssyncadd.s32 $0xFFFFE000  }
0x5f: {  	[tilespmem:s18], [sflag:$0x1] =	stream.indirect.gather [hbm4b:s1+s17], $0x80, s28, s17, $0xb8;
	[tilespmem:$0x1E8C0] =	vst v63  }
0x60: {  	_ =	swait.ge [sflag:s24], $0x2000  }
0x61: {  	[sflag:s24] =	ssyncset.done $0x0  }
0x62: {  	[sflag:s24] =	ssyncadd.s32 $0xFFFFE000  }
0x63: {  	[spmem:s3] =	stream.indirect.scatter.add.f32 [tilespmem:s20], [sflag:$0x5], $0x80, s29, s17, $0xb8;
	[tilespmem:$0x1E8C0] =	vst v63  }
0x64: {  	_ =	swait.ge [sflag:s15], $0x2000  }
0x65: {  	[sflag:s15] =	ssyncset.done $0x0  }
0x66: {  	[sflag:s15] =	ssyncadd.s32 $0xFFFFE000  }
0x67: {  	_ =	swait.ge [sflag:s25], $0x2000  }
0x68: {  	[sflag:s25] =	ssyncset.done $0x0  }
0x69: {  	[sflag:s25] =	ssyncadd.s32 $0xFFFFE000  }
0x6a: {  	[spmem:s3] =	stream.indirect.scatter.add.f32 [tilespmem:s22], [sflag:$0x5], $0x80, s30, s17, $0xb8;
	[tilespmem:$0x1E8C0] =	vst v63  }
0x6b: {  	_ =	swait.ge [sflag:s15], $0x2000  }
0x6c: {  	[sflag:s15] =	ssyncset.done $0x0  }
0x6d: {  	[sflag:s15] =	ssyncadd.s32 $0xFFFFE000  }
0x6e: {  	_ =	swait.ge [sflag:s23], $0x2000  }
0x6f: {  	[sflag:s23] =	ssyncset.done $0x0  }
0x70: {  	[sflag:s23] =	ssyncadd.s32 $0xFFFFE000  }
0x71: {  	[spmem:s3] =	stream.indirect.scatter.add.f32 [tilespmem:s18], [sflag:$0x5], $0x80, s31, s17, $0xb8;
	[tilespmem:$0x1E8C0] =	vst v63  }
0x72: {  	_ =	swait.ge [sflag:s15], $0x2000  }
0x73: {  	[sflag:s15] =	ssyncset.done $0x0  }
0x74: {  	[sflag:s15] =	ssyncadd.s32 $0xFFFFE000  }
0x75: {  	s0 =	sor.u32 $0x1C05, s6;
	[bflag:$0x0] =	sbarrier.arrive $0xFFFF  }
0x76: {  	[hbm:s10], [sflag:s0] =	dma.local [spmem:s13], $0x2700  }
0x77: {  	_ =	swait.ge [sflag:s15], $0x2700  }
0x78: {  	s2 =	sadd.s32 $0x1, s2;
	[sflag:s15] =	ssyncset.done $0x0  }
0x79: {  	p1 =	sne.s32 s2, s12;
	[sflag:s15] =	ssyncadd.s32 $0xFFFFD900  }
0x7a: {  	[hbm:s11], [sflag:s0] =	dma.local @!p0 [spmem:s14], $0x100  }
.Ltmp1:
0x7b: {  	_ = 	snop;
	(pc) =	sbr.rel @p1 .LBB2_1-.Ltmp1, $4  }
0x7c: {  	s0 =	simm.s32 @!p0 $0x5  }
0x7d: {  	_ =	swait.ge @!p0 [sflag:s0], $0x100  }
0x7e: {  	[sflag:s0] =	ssyncset.done @!p0 $0x0  }
0x7f: {  	[sflag:s0] =	ssyncadd.s32 @!p0 $0xFFFFFF00  }
0x80: {  	_ =	sfence.sel $0x180000  }
0x81: {  	[bflag:$0x0] =	sbarrier.arrive $0xFFFF  }
0x82: {  	_ =	strace $0x9000004A  }
0x83: {  	s0 =	stileid.u32;
	[bflag:$0x2] =	sbarrier.arrive $0xFFFF  }
0x84: {  	p0 =	sne.s32 s0, $0x0;
	s0 =	rddreg [dreg:$0x3]  }
0x85: {  	s0 =	sadd.s32 @!p0 $0x100000, s0  }
0x86: {  	[sflag:s0] =	ssyncadd.tile.s32 @!p0 $0x1;
	_ =	shalt  }
.Lfunc_end2:
_tile_overlayer_lowered:
.L_overlay_start_2:
0x87: {  	(tag) =	ssettag $0x2  }
0x88: {  	s0 =	rddreg [dreg:$0x0];
	s2 =	stileid.u32  }
0x89: {  	s1 =	rddreg [dreg:$0x1];
	p0 =	sne.s32 s2, $0x0  }
0x8a: {  	s3 =	rddreg [dreg:$0x2];
	[bflag:$0x3] =	sbarrier.arrive $0xFFFF;
	s2 =	simm.s32 @!p0 $0x1C05  }
0x8b: {  	[timem:s3], [sflag:s2] =	dma.local @!p0 [hbm:s0], s1  }
0x8c: {  	s0 =	simm.s32 @!p0 $0x5  }
0x8d: {  	_ =	swait.ge @!p0 [sflag:s0], s1  }
0x8e: {  	s1 =	ssub.s32 @!p0 $0x0, s1;
	[sflag:s0] =	ssyncset.done @!p0 $0x0  }
0x8f: {  	[sflag:s0] =	ssyncadd.s32 @!p0 s1  }
0x90: {  	[bflag:$0x3] =	sbarrier.arrive $0xFFFF  }
0x91: {  	_ =	shalt  }

// kernel: kernel.14.cloned.1.call-start
scs
__scs_entry_jumppad:
0x0: {  	(pc) =	sbr.rel $0x88, $3  }
0x1: {  	(tag) =	ssettag $0x0;
	lr =	simm.s32 $0x1  }
0x2: {  	[smem:$0x3F96] =	sst lr;
	_ =	strace $0xD0000000  }
0x3: {  	_ = 	snop  }
0x4: {  	_ = 	snop  }
0x5: {  	_ = 	snop  }
0x6: {  	_ = 	snop  }
0x7: {  	_ = 	snop  }
__scs_overlays_trampoline_lowered:
0x8: {  	[smem:$0x3FA5] =	sst s0  }
0x9: {  	[smem:$0x3FA6] =	sst s1  }
0xa: {  	[smem:$0x3FA7] =	sst s2  }
0xb: {  	[smem:$0x3FA8] =	sst s3  }
0xc: {  	[smem:$0x3FA9] =	sst s4  }
0xd: {  	[smem:$0x3FAA] =	sst s5  }
0xe: {  	[smem:$0x3FAB] =	sst s6  }
0xf: {  	[smem:$0x3FAC] =	sst s7  }
0x10: {  	[smem:$0x3FAD] =	sst s8  }
0x11: {  	[smem:$0x3FAE] =	sst s9;
	s0 =	simm.s32 @!p0 $0x0  }
0x12: {  	s1 =	sld [smem:$0x3F94];
	s0 =	simm.s32 @p0 $0x1  }
0x13: {  	[smem:$0x3FAF] =	sst s0;
	s0 =	simm.s32 @!p1 $0x0  }
0x14: {  	s2 =	sld [smem:$0x3F93];
	s0 =	simm.s32 @p1 $0x1  }
0x15: {  	[smem:$0x3FB0] =	sst s0;
	s0 =	simm.s32 @!p2 $0x0  }
0x16: {  	s3 =	sld [smem:$0x3FDB];
	s0 =	simm.s32 @p2 $0x1  }
0x17: {  	s4 =	simm.s32 $0x1BF5;
	[smem:$0x3FB2] =	sst s0  }
0x18: {  	s0 =	sld [smem:$0x3F95];
	_ =	swait.ge [sflag:s4], $0x0  }
0x19: {  	s7 =	sld [smem:$0x3F96]  }
0x1a: {  	s8 =	sadd.s32 $0xFFFFE003, lr  }
0x1b: {  	s9 =	sadd.s32 $0xFFFFFEF7, lr;
	s5 =	simm.s32 $0xFFFFFFFF;
	p2 =	slt.u32 s8, $0xFFFFF086  }
0x1c: {  	p1 =	slt.u32 s9, $0xF7A;
	s5 =	simm.s32 @!p2 $0x0  }
0x1d: {  	s5 =	simm.s32 @p1 $0x1;
	p0 =	seq.s32 s7, s2  }
0x1e: {  	s7 =	smul.u32 @!p0 $0xF7A, s2;
	p2 =	seq.s32 @!p0 s5, $0x0  }
0x1f: {  	s9 =	smul.u32 $0xF7A, s1;
	s8 =	simm.s32 @!p0 $0x1BF5;
	p2 =	por !p2, p0  }
0x20: {  	[sflag:s8] =	ssyncset.s32 @!p0 $0xFFFFF086;
	s6 =	sadd.s32 @!p0 s3, s7;
	s7 =	simm.s32 @!p0 $0x108  }
0x21: {  	s3 =	sadd.s32 s3, s9;
	s6 =	sadd.s32 @!p0 $0x88, s6;
	s7 =	simm.s32 @p2 $0x1082  }
0x22: {  	[simem:s7], [sflag:s8] =	dma.local @!p0 [hbm:s6], $0xF7A  }
0x23: {  	s9 =	sor.u32 $0xD0000000, s2;
	s6 =	simm.s32 $0x108;
	_ =	swait.ge @!p0 [sflag:s8], $0x0  }
0x24: {  	s3 =	sadd.s32 $0x88, s3;
	s6 =	simm.s32 @!p1 $0x1082;
	[sflag:s4] =	ssyncset.s32 $0xFFFFF086  }
0x25: {  	[simem:s6], [sflag:s4] =	dma.local [hbm:s3], $0xF7A  }
0x26: {  	[smem:$0x3F96] =	sst s1;
	(tag) =	ssettag s2;
	_ =	strace s9  }
0x27: {  	s1 =	sld [smem:$0x3FA6]  }
0x28: {  	s2 =	sld [smem:$0x3FA7]  }
0x29: {  	s4 =	sld [smem:$0x3FA9]  }
0x2a: {  	p0 =	seq.s32 s5, $0x0;
	s5 =	sld [smem:$0x3FAA]  }
0x2b: {  	s6 =	sld [smem:$0x3FAB]  }
0x2c: {  	s7 =	sld [smem:$0x3FAC]  }
0x2d: {  	s3 =	simm.s32 $0x108;
	s8 =	sld [smem:$0x3FAD]  }
0x2e: {  	s3 =	simm.s32 @!p0 $0x1082;
	s9 =	sld [smem:$0x3FAE]  }
0x2f: {  	lr =	sadd.s32 s0, s3;
	s0 =	sld [smem:$0x3FA5]  }
0x30: {  	s3 =	sld [smem:$0x3FA8]  }
0x31: {  	[smem:$0x3FB1] =	sst s10  }
0x32: {  	s10 =	sld [smem:$0x3FAF];
	_ =	sdelay $0x3  }
0x33: {  	p0 =	seq.s32 s10, $0x1;
	s10 =	sld [smem:$0x3FB1];
	_ =	sdelay $0x3  }
0x34: {  	[smem:$0x3FB1] =	sst s10  }
0x35: {  	s10 =	sld [smem:$0x3FB0];
	_ =	sdelay $0x3  }
0x36: {  	p1 =	seq.s32 s10, $0x1;
	s10 =	sld [smem:$0x3FB1];
	_ =	sdelay $0x3  }
0x37: {  	[smem:$0x3FB1] =	sst s10  }
0x38: {  	s10 =	sld [smem:$0x3FB2]  }
0x39: {  	_ = 	snop;
	(pc) =	sbr.ind lr, $3  }
0x3a: {  	_ = 	snop  }
0x3b: {  	_ = 	snop  }
0x3c: {  	p2 =	seq.s32 s10, $0x1;
	s10 =	sld [smem:$0x3FB1]  }
0x3d: {  	_ =	shalt  }
0x3e: {  	_ =	shalt  }
0x3f: {  	_ =	shalt  }
0x40: {  	_ =	shalt  }
0x41: {  	_ =	shalt  }
0x42: {  	_ =	shalt  }
0x43: {  	_ =	shalt  }
0x44: {  	_ =	shalt  }
0x45: {  	_ =	shalt  }
0x46: {  	_ =	shalt  }
0x47: {  	_ =	shalt  }
0x48: {  	_ =	shalt  }
0x49: {  	_ =	shalt  }
0x4a: {  	_ =	shalt  }
0x4b: {  	_ =	shalt  }
0x4c: {  	_ =	shalt  }
0x4d: {  	_ =	shalt  }
0x4e: {  	_ =	shalt  }
0x4f: {  	_ =	shalt  }
0x50: {  	_ =	shalt  }
0x51: {  	_ =	shalt  }
0x52: {  	_ =	shalt  }
0x53: {  	_ =	shalt  }
0x54: {  	_ =	shalt  }
0x55: {  	_ =	shalt  }
0x56: {  	_ =	shalt  }
0x57: {  	_ =	shalt  }
0x58: {  	_ =	shalt  }
0x59: {  	_ =	shalt  }
0x5a: {  	_ =	shalt  }
0x5b: {  	_ =	shalt  }
0x5c: {  	_ =	shalt  }
0x5d: {  	_ =	shalt  }
0x5e: {  	_ =	shalt  }
0x5f: {  	_ =	shalt  }
0x60: {  	_ =	shalt  }
0x61: {  	_ =	shalt  }
0x62: {  	_ =	shalt  }
0x63: {  	_ =	shalt  }
0x64: {  	_ =	shalt  }
0x65: {  	_ =	shalt  }
0x66: {  	_ =	shalt  }
0x67: {  	_ =	shalt  }
0x68: {  	_ =	shalt  }
0x69: {  	_ =	shalt  }
0x6a: {  	_ =	shalt  }
0x6b: {  	_ =	shalt  }
0x6c: {  	_ =	shalt  }
0x6d: {  	_ =	shalt  }
0x6e: {  	_ =	shalt  }
0x6f: {  	_ =	shalt  }
0x70: {  	_ =	shalt  }
0x71: {  	_ =	shalt  }
0x72: {  	_ =	shalt  }
0x73: {  	_ =	shalt  }
0x74: {  	_ =	shalt  }
0x75: {  	_ =	shalt  }
0x76: {  	_ =	shalt  }
0x77: {  	_ =	shalt  }
0x78: {  	_ =	shalt  }
0x79: {  	_ =	shalt  }
0x7a: {  	_ =	shalt  }
0x7b: {  	_ =	shalt  }
0x7c: {  	_ =	shalt  }
0x7d: {  	_ =	shalt  }
0x7e: {  	_ =	shalt  }
0x7f: {  	_ =	shalt  }
0x80: {  	_ =	shalt  }
0x81: {  	_ =	shalt  }
0x82: {  	_ =	shalt  }
0x83: {  	_ =	shalt  }
0x84: {  	_ =	shalt  }
0x85: {  	_ =	shalt  }
0x86: {  	_ =	shalt  }
0x87: {  	_ =	shalt  }
.Lfunc_end0:
.L_simem_size_0:
called_computation.2_lowered:
.L_overlay_start_0:
0x88: {  	s2 =	sld [smem:$0x3FD9]  }
0x89: {  	s3 =	sld [smem:$0x3FFE];
	_ =	sdelay $0x1  }
0x8a: {  	s1 =	srdreg.scid  }
0x8b: {  	s0 =	sand.u32 $0x1, s1  }
0x8c: {  	s17 =	sshll.u32 s0, $0xA;
	s2 =	sadd.s32 s3, s2  }
0x8d: {  	s2 =	sadd.s32 s2, s17  }
0x8e: {  	[smem:$0x3FBD] =	sst s2  }
0x8f: {  	_ = 	snop  }
0x90: {  	s2 =	sld [smem:$0x3FD0];
	(tm) =	ssettm $0x1  }
0x91: {  	s18 =	sld [smem:$0x3FFB];
	_ =	sdelay $0x3  }
0x92: {  	_ =	strace s18  }
0x93: {  	s3 =	sld [smem:$0x3FFC];
	_ =	sdelay $0x3  }
0x94: {  	_ =	strace s3  }
0x95: {  	s3 =	sld [smem:$0x3FFD];
	_ =	sdelay $0x3  }
0x96: {  	_ =	strace s3  }
0x97: {  	_ =	strace $0x8FFFFFFF  }
0x98: {  	s19 =	sld [smem:$0x3FDB];
	_ =	sdelay $0x1  }
0x99: {  	s4 =	simm.s32 $_scs_section_size  }
0x9a: {  	s5 =	simm.s32 $_size__tile_overlayer_lowered;
	s6 =	simm.s32 $_tile_overlayer_lowered  }
0x9b: {  	s22 =	simm.s32 $0x1BFF;
	s21 =	sshll.u32 s6, $0x1;
	s3 =	sadd.s32 s4, s19  }
0x9c: {  	s7 =	simm.s32 $0x0;
	s20 =	sshll.u32 s5, $0x1;
	s5 =	sadd.s32 s21, s3  }
0x9d: {  	[timem:s7], [sflag:s22] =	dma.local [hbm:s5], s20  }
0x9e: {  	_ =	swait.ge [sflag:s22], s20  }
0x9f: {  	s4 =	ssub.s32 $0x0, s20;
	[sflag:s22] =	ssyncset.done $0x0  }
0xa0: {  	[sflag:s22] =	ssyncadd.s32 s4;
	_ =	sdelay $0x1  }
0xa1: {  	s23 =	simm.s32 $0x1B8B  }
0xa2: {  	_ =	swait.ge [sflag:s23], $0x1  }
0xa3: {  	[sflag:s23] =	ssyncset.done $0x0  }
0xa4: {  	s25 =	simm.s32 $0x1B8E;
	s24 =	sld [smem:$0x3FFE];
	[sflag:s23] =	ssyncadd.s32 $0xFFFFFFFF  }
0xa5: {  	s26 =	simm.s32 $execute0_lowered;
	[smem:$0x3FD2] =	sst s25  }
0xa6: {  	s5 =	sshll.u32 s26, $0x1;
	_ =	strace $0x8000004C;
	[dreg:$0x1] =	wrdreg $0xFFFFFFFF  }
0xa7: {  	s28 =	simm.s32 $_size_execute0_lowered;
	s3 =	sadd.s32 s3, s5;
	[dreg:$0x0] =	wrdreg $0x0  }
0xa8: {  	s5 =	sshll.u32 s28, $0x1;
	[dreg:$0x2] =	wrdreg s3  }
0xa9: {  	[dreg:$0x3] =	wrdreg s5  }
0xaa: {  	[dreg:$0x4] =	wrdreg $0xC0  }
0xab: {  	_ =	task [dreg:s7], $0x5FFFF  }
0xac: {  	[dreg:$0x1] =	wrdreg $0xFFFFFFFF  }
0xad: {  	[dreg:$0x0] =	wrdreg $0x60  }
0xae: {  	[dreg:$0x2] =	wrdreg s2  }
0xaf: {  	[dreg:$0x3] =	wrdreg s24  }
0xb0: {  	[dreg:$0x4] =	wrdreg $0xB0000  }
0xb1: {  	[dreg:$0x5] =	wrdreg $0x9  }
0xb2: {  	_ =	task.clear_ibuf [dreg:s7], $0x6FFFF;
	_ =	strace $0x9000004C  }
0xb3: {  	s29 =	simm.s32 $0x9;
	_ =	strace $0x8000004E  }
0xb4: {  	_ =	swait.ge [sflag:s29], $0x1  }
0xb5: {  	[sflag:s29] =	ssyncadd.s32 $0xFFFFFFFF  }
0xb6: {  	_ =	strace $0x9000004E  }
0xb7: {  	_ =	sfence  }
0xb8: {  	s30 =	sld [smem:$0x0];
	_ =	sdelay $0x2  }
0xb9: {  	s31 =	sshll.u32 s1, $0xD;
	s1 =	sshrl.u32 s1, $0x2  }
0xba: {  	s3 =	sand.u32 $0x4000, s31;
	s1 =	sadd.s32 s1, s30  }
0xbb: {  	s0 =	sor.u32 s3, s0;
	s1 =	sshll.u32 s1, $0x11  }
0xbc: {  	s0 =	sor.u32 s1, s0  }
0xbd: {  	s0 =	sadd.s32 $0x8F2B, s0  }
0xbe: {  	[sflag:s0] =	ssyncadd.remote.s32 $0x1  }
0xbf: {  	_ =	sfence.sel $0xFFFF  }
0xc0: {  	[dreg:$0x0] =	wrdreg $0xFFFFFFFF;
	(pc) =	sbr.abs _section_cstart, $3  }
0xc1: {  	[dreg:$0x1] =	wrdreg $0xFFFFFFFF  }
0xc2: {  	_ =	task.clear_ibuf [dreg:s7], $0x2FFFF;
	_ =	strace $0x9FFFFFFF  }
0xc3: {  	(tm) =	ssettm $0x7FFFFFFF  }
tec
execute0_lowered:
.L_overlay_start_1:
0x0: {  	(tag) =	ssettag $0x1  }
0x1: {  	s1 =	rddreg [dreg:$0x0]  }
0x2: {  	s0 =	srdreg.scid;
	s2 =	rddreg [dreg:$0x1]  }
0x3: {  	s16 =	stileid.u32;
	s3 =	rddreg [dreg:$0x2];
	s17 =	simm.s32 $0x40  }
0x4: {  	s18 =	simm.s32 $0x5000;
	s20 =	simm.s32 $0x7000;
	s22 =	simm.s32 $0x9000  }
0x5: {  	s23 =	simm.s32 $0x1;
	s28 =	simm.s32 $0x4F80;
	s29 =	simm.s32 $0x4EC0  }
0x6: {  	s30 =	simm.s32 $0x4F40;
	s31 =	simm.s32 $0x4FC0;
	s9 =	smul.u32 $0x2700, s16  }
0x7: {  	s0 =	sand.u32 $0x1, s0;
	s4 =	sshll.u32 s16, $0x1;
	s6 =	smul.u32 $0x4E000, s16  }
0x8: {  	s11 =	sadd.s32 $0x3E800, s2;
	s14 =	sadd.s32 $0x138000, s3;
	p0 =	sne.s32 s16, $0xF  }
0x9: {  	s5 =	sor.u32 s0, s4;
	s4 =	simm.s32 $0x0;
	s25 =	smul.u32 $0x138800, s0  }
0xa: {  	s7 =	ssub.s32 $0x2, s0;
	s0 =	smul.u32 $0x27100, s0;
	s14 =	sshrl.u32 @!p0 s14, $0x3  }
0xb: {  	s5 =	smul.u32 $0xA00, s5;
	[smem:$0x7FF] =	sst s4;
	s24 =	sadd.s32 s9, s2  }
0xc: {  	s8 =	sshrl.u32 s7, $0x1;
	s6 =	sshrl.u32 s6, $0x2;
	_ =	strace $0x8000004D  }
0xd: {  	s12 =	ssub.s32 s7, s8;
	s13 =	sadd.s32 s6, s3;
	s6 =	sshll.u32 s16, $0x6  }
0xe: {  	s15 =	sshrl.u32 s25, $0x3;
	s8 =	sadd.s32 $0x3E600, s2;
	s0 =	sadd.s32 s9, s0  }
0xf: {  	s16 =	simm.s32 $0x4;
	s25 =	simm.s32 $0x3;
	s10 =	sadd.s32 s5, s2  }
0x10: {  	s5 =	sadd.s32 $0x17600, s24;
	s7 =	sor.u32 $0x1C04, s6;
	s26 =	sadd.s32 s11, s15  }
0x11: {  	s12 =	smax.u32 s12, $0x1;
	s13 =	sshrl.u32 s13, $0x3;
	s15 =	simm.s32 $0x5  }
0x12: {  	s24 =	simm.s32 $0x2;
	s2 =	simm.s32 $0x0;
	s9 =	sadd.s32 $0x3600, s10  }
0x13: {  	s10 =	sadd.s32 s11, s0;
	s11 =	sadd.s32 $0x27000, s26;
	s26 =	simm.s32 $0x4E40  }
.LBB2_1:
0x14: {  	[spmem:s13], [sflag:s7] =	dma.local [hbm:s5], $0x2700  }
0x15: {  	s0 =	simm.s32 @!p0 $0x4  }
0x16: {  	[spmem:s14], [sflag:s7] =	dma.local @!p0 [hbm:s8], $0x180  }
0x17: {  	_ =	swait.ge @!p0 [sflag:s0], $0x180  }
0x18: {  	[sflag:s0] =	ssyncset.done @!p0 $0x0  }
0x19: {  	[sflag:s0] =	ssyncadd.s32 @!p0 $0xFFFFFE80  }
0x1a: {  	[tilespmem:s4], [sflag:$0x5] =	stream.linear.gather [hbm4b:s9+s4], $0x5000, $0x38;
	[tilespmem:$0x1E8C0] =	vst v63  }
0x1b: {  	_ =	swait.ge [sflag:s15], $0x5000  }
0x1c: {  	[sflag:s15] =	ssyncset.done $0x0  }
0x1d: {  	[sflag:s15] =	ssyncadd.s32 $0xFFFFB000  }
0x1e: {  	_ =	swait.ge [sflag:s16], $0x2700  }
0x1f: {  	[sflag:s16] =	ssyncset.done $0x0  }
0x20: {  	[sflag:s16] =	ssyncadd.s32 $0xFFFFD900  }
0x21: {  	[bflag:$0x0] =	sbarrier.arrive $0xFFFF  }
0x22: {  	[tilespmem:s18], [sflag:$0x1] =	stream.indirect.gather [hbm4b:s1+s17], $0x80, s4, s17, $0xb8;
	[tilespmem:$0x1E8C0] =	vst v63  }
0x23: {  	s21 =	simm.s32 $0x80  }
0x24: {  	[tilespmem:s20], [sflag:$0x2] =	stream.indirect.gather [hbm4b:s1+s17], $0x80, s21, s17, $0xb8;
	[tilespmem:$0x1E8C0] =	vst v63  }
0x25: {  	s19 =	simm.s32 $0x100  }
0x26: {  	[tilespmem:s22], [sflag:$0x3] =	stream.indirect.gather [hbm4b:s1+s17], $0x80, s19, s17, $0xb8;
	[tilespmem:$0x1E8C0] =	vst v63  }
0x27: {  	_ =	swait.ge [sflag:s23], $0x2000  }
0x28: {  	[sflag:s23] =	ssyncset.done $0x0  }
0x29: {  	s21 =	simm.s32 $0x40;
	[sflag:s23] =	ssyncadd.s32 $0xFFFFE000  }
0x2a: {  	[spmem:s3] =	stream.indirect.scatter.add.f32 [tilespmem:s18], [sflag:$0x5], $0x80, s21, s17, $0xb8;
	[tilespmem:$0x1E8C0] =	vst v63  }
0x2b: {  	_ =	swait.ge [sflag:s15], $0x2000  }
0x2c: {  	[sflag:s15] =	ssyncset.done $0x0  }
0x2d: {  	s19 =	simm.s32 $0x180;
	[sflag:s15] =	ssyncadd.s32 $0xFFFFE000  }
0x2e: {  	[tilespmem:s18], [sflag:$0x1] =	stream.indirect.gather [hbm4b:s1+s17], $0x80, s19, s17, $0xb8;
	[tilespmem:$0x1E8C0] =	vst v63  }
0x2f: {  	_ =	swait.ge [sflag:s24], $0x2000  }
0x30: {  	[sflag:s24] =	ssyncset.done $0x0  }
0x31: {  	s21 =	simm.s32 $0xC0;
	[sflag:s24] =	ssyncadd.s32 $0xFFFFE000  }
0x32: {  	[spmem:s3] =	stream.indirect.scatter.add.f32 [tilespmem:s20], [sflag:$0x5], $0x80, s21, s17, $0xb8;
	[tilespmem:$0x1E8C0] =	vst v63  }
0x33: {  	_ =	swait.ge [sflag:s15], $0x2000  }
0x34: {  	[sflag:s15] =	ssyncset.done $0x0  }
0x35: {  	s19 =	simm.s32 $0x200;
	[sflag:s15] =	ssyncadd.s32 $0xFFFFE000  }
0x36: {  	[tilespmem:s20], [sflag:$0x2] =	stream.indirect.gather [hbm4b:s1+s17], $0x80, s19, s17, $0xb8;
	[tilespmem:$0x1E8C0] =	vst v63  }
0x37: {  	_ =	swait.ge [sflag:s25], $0x2000  }
0x38: {  	[sflag:s25] =	ssyncset.done $0x0  }
0x39: {  	s21 =	simm.s32 $0x140;
	[sflag:s25] =	ssyncadd.s32 $0xFFFFE000  }
0x3a: {  	[spmem:s3] =	stream.indirect.scatter.add.f32 [tilespmem:s22], [sflag:$0x5], $0x80, s21, s17, $0xb8;
	[tilespmem:$0x1E8C0] =	vst v63  }
0x3b: {  	_ =	swait.ge [sflag:s15], $0x2000  }
0x3c: {  	[sflag:s15] =	ssyncset.done $0x0  }
0x3d: {  	s0 =	simm.s32 $0x600;
	s19 =	simm.s32 $0x280;
	[sflag:s15] =	ssyncadd.s32 $0xFFFFE000  }
.LBB2_2:
0x3e: {  	[tilespmem:s22], [sflag:$0x3] =	stream.indirect.gather [hbm4b:s1+s17], $0x80, s19, s17, $0xb8;
	[tilespmem:$0x1E8C0] =	vst v63  }
0x3f: {  	s19 =	smov.u32 s0  }
0x40: {  	p1 =	sne.s32 s0, $0x13200;
	s0 =	sadd.s32 $0x600, s0;
	_ =	swait.ge [sflag:s23], $0x2000  }
0x41: {  	s19 =	sshra.s32 s19, $0x2;
	[sflag:s23] =	ssyncset.done $0x0  }
0x42: {  	s21 =	sadd.s32 $0x40, s19;
	[sflag:s23] =	ssyncadd.s32 $0xFFFFE000  }
0x43: {  	[spmem:s3] =	stream.indirect.scatter.add.f32 [tilespmem:s18], [sflag:$0x5], $0x80, s21, s17, $0xb8;
	[tilespmem:$0x1E8C0] =	vst v63  }
0x44: {  	_ =	swait.ge [sflag:s15], $0x2000  }
0x45: {  	[sflag:s15] =	ssyncset.done $0x0  }
0x46: {  	s21 =	sadd.s32 $0x180, s19;
	[sflag:s15] =	ssyncadd.s32 $0xFFFFE000  }
0x47: {  	[tilespmem:s18], [sflag:$0x1] =	stream.indirect.gather [hbm4b:s1+s17], $0x80, s21, s17, $0xb8;
	[tilespmem:$0x1E8C0] =	vst v63  }
0x48: {  	_ =	swait.ge [sflag:s24], $0x2000  }
0x49: {  	[sflag:s24] =	ssyncset.done $0x0  }
0x4a: {  	s21 =	sadd.s32 $0xC0, s19;
	[sflag:s24] =	ssyncadd.s32 $0xFFFFE000  }
0x4b: {  	[spmem:s3] =	stream.indirect.scatter.add.f32 [tilespmem:s20], [sflag:$0x5], $0x80, s21, s17, $0xb8;
	[tilespmem:$0x1E8C0] =	vst v63  }
0x4c: {  	_ =	swait.ge [sflag:s15], $0x2000  }
0x4d: {  	[sflag:s15] =	ssyncset.done $0x0  }
0x4e: {  	s21 =	sadd.s32 $0x200, s19;
	[sflag:s15] =	ssyncadd.s32 $0xFFFFE000  }
0x4f: {  	[tilespmem:s20], [sflag:$0x2] =	stream.indirect.gather [hbm4b:s1+s17], $0x80, s21, s17, $0xb8;
	[tilespmem:$0x1E8C0] =	vst v63  }
0x50: {  	_ =	swait.ge [sflag:s25], $0x2000  }
0x51: {  	[sflag:s25] =	ssyncset.done $0x0  }
.Ltmp0:
0x52: {  	s21 =	sadd.s32 $0x140, s19;
	[sflag:s25] =	ssyncadd.s32 $0xFFFFE000;
	(pc) =	sbr.rel @p1 .LBB2_2-.Ltmp0, $4  }
0x53: {  	[spmem:s3] =	stream.indirect.scatter.add.f32 [tilespmem:s22], [sflag:$0x5], $0x80, s21, s17, $0xb8;
	[tilespmem:$0x1E8C0] =	vst v63  }
0x54: {  	_ =	swait.ge [sflag:s15], $0x2000  }
0x55: {  	[sflag:s15] =	ssyncset.done $0x0  }
0x56: {  	s19 =	sadd.s32 $0x280, s19;
	[sflag:s15] =	ssyncadd.s32 $0xFFFFE000  }
0x57: {  	[tilespmem:s22], [sflag:$0x3] =	stream.indirect.gather [hbm4b:s1+s17], $0x80, s19, s17, $0xb8;
	[tilespmem:$0x1E8C0] =	vst v63  }
0x58: {  	_ =	swait.ge [sflag:s23], $0x2000  }
0x59: {  	[sflag:s23] =	ssyncset.done $0x0  }
0x5a: {  	[sflag:s23] =	ssyncadd.s32 $0xFFFFE000  }
0x5b: {  	[spmem:s3] =	stream.indirect.scatter.add.f32 [tilespmem:s18], [sflag:$0x5], $0x80, s26, s17, $0xb8;
	[tilespmem:$0x1E8C0] =	vst v63  }
0x5c: {  	_ =	swait.ge [sflag:s15], $0x2000  }
0x5d: {  	[sflag:s15] =	ssyncset.done $0x0  }
0x5e: {  	[sflag:s15] =	ssyncadd.s32 $0xFFFFE000  }
0x5f: {  	[tilespmem:s18], [sflag:$0x1] =	stream.indirect.gather [hbm4b:s1+s17], $0x80, s28, s17, $0xb8;
	[tilespmem:$0x1E8C0] =	vst v63  }
0x60: {  	_ =	swait.ge [sflag:s24], $0x2000  }
0x61: {  	[sflag:s24] =	ssyncset.done $0x0  }
0x62: {  	[sflag:s24] =	ssyncadd.s32 $0xFFFFE000  }
0x63: {  	[spmem:s3] =	stream.indirect.scatter.add.f32 [tilespmem:s20], [sflag:$0x5], $0x80, s29, s17, $0xb8;
	[tilespmem:$0x1E8C0] =	vst v63  }
0x64: {  	_ =	swait.ge [sflag:s15], $0x2000  }
0x65: {  	[sflag:s15] =	ssyncset.done $0x0  }
0x66: {  	[sflag:s15] =	ssyncadd.s32 $0xFFFFE000  }
0x67: {  	_ =	swait.ge [sflag:s25], $0x2000  }
0x68: {  	[sflag:s25] =	ssyncset.done $0x0  }
0x69: {  	[sflag:s25] =	ssyncadd.s32 $0xFFFFE000  }
0x6a: {  	[spmem:s3] =	stream.indirect.scatter.add.f32 [tilespmem:s22], [sflag:$0x5], $0x80, s30, s17, $0xb8;
	[tilespmem:$0x1E8C0] =	vst v63  }
0x6b: {  	_ =	swait.ge [sflag:s15], $0x2000  }
0x6c: {  	[sflag:s15] =	ssyncset.done $0x0  }
0x6d: {  	[sflag:s15] =	ssyncadd.s32 $0xFFFFE000  }
0x6e: {  	_ =	swait.ge [sflag:s23], $0x2000  }
0x6f: {  	[sflag:s23] =	ssyncset.done $0x0  }
0x70: {  	[sflag:s23] =	ssyncadd.s32 $0xFFFFE000  }
0x71: {  	[spmem:s3] =	stream.indirect.scatter.add.f32 [tilespmem:s18], [sflag:$0x5], $0x80, s31, s17, $0xb8;
	[tilespmem:$0x1E8C0] =	vst v63  }
0x72: {  	_ =	swait.ge [sflag:s15], $0x2000  }
0x73: {  	[sflag:s15] =	ssyncset.done $0x0  }
0x74: {  	[sflag:s15] =	ssyncadd.s32 $0xFFFFE000  }
0x75: {  	s0 =	sor.u32 $0x1C05, s6;
	[bflag:$0x0] =	sbarrier.arrive $0xFFFF  }
0x76: {  	[hbm:s10], [sflag:s0] =	dma.local [spmem:s13], $0x2700  }
0x77: {  	_ =	swait.ge [sflag:s15], $0x2700  }
0x78: {  	s2 =	sadd.s32 $0x1, s2;
	[sflag:s15] =	ssyncset.done $0x0  }
0x79: {  	p1 =	sne.s32 s2, s12;
	[sflag:s15] =	ssyncadd.s32 $0xFFFFD900  }
0x7a: {  	[hbm:s11], [sflag:s0] =	dma.local @!p0 [spmem:s14], $0x100  }
.Ltmp1:
0x7b: {  	_ = 	snop;
	(pc) =	sbr.rel @p1 .LBB2_1-.Ltmp1, $4  }
0x7c: {  	s0 =	simm.s32 @!p0 $0x5  }
0x7d: {  	_ =	swait.ge @!p0 [sflag:s0], $0x100  }
0x7e: {  	[sflag:s0] =	ssyncset.done @!p0 $0x0  }
0x7f: {  	[sflag:s0] =	ssyncadd.s32 @!p0 $0xFFFFFF00  }
0x80: {  	_ =	sfence.sel $0x180000  }
0x81: {  	[bflag:$0x0] =	sbarrier.arrive $0xFFFF  }
0x82: {  	_ =	strace $0x9000004D  }
0x83: {  	s0 =	stileid.u32;
	[bflag:$0x2] =	sbarrier.arrive $0xFFFF  }
0x84: {  	p0 =	sne.s32 s0, $0x0;
	s0 =	rddreg [dreg:$0x3]  }
0x85: {  	s0 =	sadd.s32 @!p0 $0x100000, s0  }
0x86: {  	[sflag:s0] =	ssyncadd.tile.s32 @!p0 $0x1;
	_ =	shalt  }
.Lfunc_end2:
_tile_overlayer_lowered:
.L_overlay_start_2:
0x87: {  	(tag) =	ssettag $0x2  }
0x88: {  	s0 =	rddreg [dreg:$0x0];
	s2 =	stileid.u32  }
0x89: {  	s1 =	rddreg [dreg:$0x1];
	p0 =	sne.s32 s2, $0x0  }
0x8a: {  	s3 =	rddreg [dreg:$0x2];
	[bflag:$0x3] =	sbarrier.arrive $0xFFFF;
	s2 =	simm.s32 @!p0 $0x1C05  }
0x8b: {  	[timem:s3], [sflag:s2] =	dma.local @!p0 [hbm:s0], s1  }
0x8c: {  	s0 =	simm.s32 @!p0 $0x5  }
0x8d: {  	_ =	swait.ge @!p0 [sflag:s0], s1  }
0x8e: {  	s1 =	ssub.s32 @!p0 $0x0, s1;
	[sflag:s0] =	ssyncset.done @!p0 $0x0  }
0x8f: {  	[sflag:s0] =	ssyncadd.s32 @!p0 s1  }
0x90: {  	[bflag:$0x3] =	sbarrier.arrive $0xFFFF  }
0x91: {  	_ =	shalt  }

// kernel: kernel.8.cloned.1.call-start
scs
__scs_entry_jumppad:
0x0: {  	(pc) =	sbr.rel $0x88, $3  }
0x1: {  	(tag) =	ssettag $0x0;
	lr =	simm.s32 $0x1  }
0x2: {  	[smem:$0x3F96] =	sst lr;
	_ =	strace $0xD0000000  }
0x3: {  	_ = 	snop  }
0x4: {  	_ = 	snop  }
0x5: {  	_ = 	snop  }
0x6: {  	_ = 	snop  }
0x7: {  	_ = 	snop  }
__scs_overlays_trampoline_lowered:
0x8: {  	[smem:$0x3FA5] =	sst s0  }
0x9: {  	[smem:$0x3FA6] =	sst s1  }
0xa: {  	[smem:$0x3FA7] =	sst s2  }
0xb: {  	[smem:$0x3FA8] =	sst s3  }
0xc: {  	[smem:$0x3FA9] =	sst s4  }
0xd: {  	[smem:$0x3FAA] =	sst s5  }
0xe: {  	[smem:$0x3FAB] =	sst s6  }
0xf: {  	[smem:$0x3FAC] =	sst s7  }
0x10: {  	[smem:$0x3FAD] =	sst s8  }
0x11: {  	[smem:$0x3FAE] =	sst s9;
	s0 =	simm.s32 @!p0 $0x0  }
0x12: {  	s1 =	sld [smem:$0x3F94];
	s0 =	simm.s32 @p0 $0x1  }
0x13: {  	[smem:$0x3FAF] =	sst s0;
	s0 =	simm.s32 @!p1 $0x0  }
0x14: {  	s2 =	sld [smem:$0x3F93];
	s0 =	simm.s32 @p1 $0x1  }
0x15: {  	[smem:$0x3FB0] =	sst s0;
	s0 =	simm.s32 @!p2 $0x0  }
0x16: {  	s3 =	sld [smem:$0x3FDB];
	s0 =	simm.s32 @p2 $0x1  }
0x17: {  	s4 =	simm.s32 $0x1BF5;
	[smem:$0x3FB2] =	sst s0  }
0x18: {  	s0 =	sld [smem:$0x3F95];
	_ =	swait.ge [sflag:s4], $0x0  }
0x19: {  	s7 =	sld [smem:$0x3F96]  }
0x1a: {  	s8 =	sadd.s32 $0xFFFFE003, lr  }
0x1b: {  	s9 =	sadd.s32 $0xFFFFFEF7, lr;
	s5 =	simm.s32 $0xFFFFFFFF;
	p2 =	slt.u32 s8, $0xFFFFF086  }
0x1c: {  	p1 =	slt.u32 s9, $0xF7A;
	s5 =	simm.s32 @!p2 $0x0  }
0x1d: {  	s5 =	simm.s32 @p1 $0x1;
	p0 =	seq.s32 s7, s2  }
0x1e: {  	s7 =	smul.u32 @!p0 $0xF7A, s2;
	p2 =	seq.s32 @!p0 s5, $0x0  }
0x1f: {  	s9 =	smul.u32 $0xF7A, s1;
	s8 =	simm.s32 @!p0 $0x1BF5;
	p2 =	por !p2, p0  }
0x20: {  	[sflag:s8] =	ssyncset.s32 @!p0 $0xFFFFF086;
	s6 =	sadd.s32 @!p0 s3, s7;
	s7 =	simm.s32 @!p0 $0x108  }
0x21: {  	s3 =	sadd.s32 s3, s9;
	s6 =	sadd.s32 @!p0 $0x88, s6;
	s7 =	simm.s32 @p2 $0x1082  }
0x22: {  	[simem:s7], [sflag:s8] =	dma.local @!p0 [hbm:s6], $0xF7A  }
0x23: {  	s9 =	sor.u32 $0xD0000000, s2;
	s6 =	simm.s32 $0x108;
	_ =	swait.ge @!p0 [sflag:s8], $0x0  }
0x24: {  	s3 =	sadd.s32 $0x88, s3;
	s6 =	simm.s32 @!p1 $0x1082;
	[sflag:s4] =	ssyncset.s32 $0xFFFFF086  }
0x25: {  	[simem:s6], [sflag:s4] =	dma.local [hbm:s3], $0xF7A  }
0x26: {  	[smem:$0x3F96] =	sst s1;
	(tag) =	ssettag s2;
	_ =	strace s9  }
0x27: {  	s1 =	sld [smem:$0x3FA6]  }
0x28: {  	s2 =	sld [smem:$0x3FA7]  }
0x29: {  	s4 =	sld [smem:$0x3FA9]  }
0x2a: {  	p0 =	seq.s32 s5, $0x0;
	s5 =	sld [smem:$0x3FAA]  }
0x2b: {  	s6 =	sld [smem:$0x3FAB]  }
0x2c: {  	s7 =	sld [smem:$0x3FAC]  }
0x2d: {  	s3 =	simm.s32 $0x108;
	s8 =	sld [smem:$0x3FAD]  }
0x2e: {  	s3 =	simm.s32 @!p0 $0x1082;
	s9 =	sld [smem:$0x3FAE]  }
0x2f: {  	lr =	sadd.s32 s0, s3;
	s0 =	sld [smem:$0x3FA5]  }
0x30: {  	s3 =	sld [smem:$0x3FA8]  }
0x31: {  	[smem:$0x3FB1] =	sst s10  }
0x32: {  	s10 =	sld [smem:$0x3FAF];
	_ =	sdelay $0x3  }
0x33: {  	p0 =	seq.s32 s10, $0x1;
	s10 =	sld [smem:$0x3FB1];
	_ =	sdelay $0x3  }
0x34: {  	[smem:$0x3FB1] =	sst s10  }
0x35: {  	s10 =	sld [smem:$0x3FB0];
	_ =	sdelay $0x3  }
0x36: {  	p1 =	seq.s32 s10, $0x1;
	s10 =	sld [smem:$0x3FB1];
	_ =	sdelay $0x3  }
0x37: {  	[smem:$0x3FB1] =	sst s10  }
0x38: {  	s10 =	sld [smem:$0x3FB2]  }
0x39: {  	_ = 	snop;
	(pc) =	sbr.ind lr, $3  }
0x3a: {  	_ = 	snop  }
0x3b: {  	_ = 	snop  }
0x3c: {  	p2 =	seq.s32 s10, $0x1;
	s10 =	sld [smem:$0x3FB1]  }
0x3d: {  	_ =	shalt  }
0x3e: {  	_ =	shalt  }
0x3f: {  	_ =	shalt  }
0x40: {  	_ =	shalt  }
0x41: {  	_ =	shalt  }
0x42: {  	_ =	shalt  }
0x43: {  	_ =	shalt  }
0x44: {  	_ =	shalt  }
0x45: {  	_ =	shalt  }
0x46: {  	_ =	shalt  }
0x47: {  	_ =	shalt  }
0x48: {  	_ =	shalt  }
0x49: {  	_ =	shalt  }
0x4a: {  	_ =	shalt  }
0x4b: {  	_ =	shalt  }
0x4c: {  	_ =	shalt  }
0x4d: {  	_ =	shalt  }
0x4e: {  	_ =	shalt  }
0x4f: {  	_ =	shalt  }
0x50: {  	_ =	shalt  }
0x51: {  	_ =	shalt  }
0x52: {  	_ =	shalt  }
0x53: {  	_ =	shalt  }
0x54: {  	_ =	shalt  }
0x55: {  	_ =	shalt  }
0x56: {  	_ =	shalt  }
0x57: {  	_ =	shalt  }
0x58: {  	_ =	shalt  }
0x59: {  	_ =	shalt  }
0x5a: {  	_ =	shalt  }
0x5b: {  	_ =	shalt  }
0x5c: {  	_ =	shalt  }
0x5d: {  	_ =	shalt  }
0x5e: {  	_ =	shalt  }
0x5f: {  	_ =	shalt  }
0x60: {  	_ =	shalt  }
0x61: {  	_ =	shalt  }
0x62: {  	_ =	shalt  }
0x63: {  	_ =	shalt  }
0x64: {  	_ =	shalt  }
0x65: {  	_ =	shalt  }
0x66: {  	_ =	shalt  }
0x67: {  	_ =	shalt  }
0x68: {  	_ =	shalt  }
0x69: {  	_ =	shalt  }
0x6a: {  	_ =	shalt  }
0x6b: {  	_ =	shalt  }
0x6c: {  	_ =	shalt  }
0x6d: {  	_ =	shalt  }
0x6e: {  	_ =	shalt  }
0x6f: {  	_ =	shalt  }
0x70: {  	_ =	shalt  }
0x71: {  	_ =	shalt  }
0x72: {  	_ =	shalt  }
0x73: {  	_ =	shalt  }
0x74: {  	_ =	shalt  }
0x75: {  	_ =	shalt  }
0x76: {  	_ =	shalt  }
0x77: {  	_ =	shalt  }
0x78: {  	_ =	shalt  }
0x79: {  	_ =	shalt  }
0x7a: {  	_ =	shalt  }
0x7b: {  	_ =	shalt  }
0x7c: {  	_ =	shalt  }
0x7d: {  	_ =	shalt  }
0x7e: {  	_ =	shalt  }
0x7f: {  	_ =	shalt  }
0x80: {  	_ =	shalt  }
0x81: {  	_ =	shalt  }
0x82: {  	_ =	shalt  }
0x83: {  	_ =	shalt  }
0x84: {  	_ =	shalt  }
0x85: {  	_ =	shalt  }
0x86: {  	_ =	shalt  }
0x87: {  	_ =	shalt  }
.Lfunc_end0:
.L_simem_size_0:
called_computation_lowered:
.L_overlay_start_0:
0x88: {  	s2 =	sld [smem:$0x3FD9]  }
0x89: {  	s3 =	sld [smem:$0x3FFE];
	_ =	sdelay $0x1  }
0x8a: {  	s1 =	srdreg.scid  }
0x8b: {  	s0 =	sand.u32 $0x1, s1  }
0x8c: {  	s17 =	sshll.u32 s0, $0xA;
	s2 =	sadd.s32 s3, s2  }
0x8d: {  	s2 =	sadd.s32 s2, s17  }
0x8e: {  	[smem:$0x3FBD] =	sst s2  }
0x8f: {  	_ = 	snop  }
0x90: {  	s2 =	sld [smem:$0x3FC9];
	(tm) =	ssettm $0x1  }
0x91: {  	s18 =	sld [smem:$0x3FFB];
	_ =	sdelay $0x3  }
0x92: {  	_ =	strace s18  }
0x93: {  	s3 =	sld [smem:$0x3FFC];
	_ =	sdelay $0x3  }
0x94: {  	_ =	strace s3  }
0x95: {  	s3 =	sld [smem:$0x3FFD];
	_ =	sdelay $0x3  }
0x96: {  	_ =	strace s3  }
0x97: {  	_ =	strace $0x8FFFFFFF  }
0x98: {  	s19 =	sld [smem:$0x3FDB];
	_ =	sdelay $0x1  }
0x99: {  	s4 =	simm.s32 $_scs_section_size  }
0x9a: {  	s5 =	simm.s32 $_size__tile_overlayer_lowered;
	s6 =	simm.s32 $_tile_overlayer_lowered  }
0x9b: {  	s22 =	simm.s32 $0x1BFF;
	s21 =	sshll.u32 s6, $0x1;
	s3 =	sadd.s32 s4, s19  }
0x9c: {  	s7 =	simm.s32 $0x0;
	s20 =	sshll.u32 s5, $0x1;
	s5 =	sadd.s32 s21, s3  }
0x9d: {  	[timem:s7], [sflag:s22] =	dma.local [hbm:s5], s20  }
0x9e: {  	_ =	swait.ge [sflag:s22], s20  }
0x9f: {  	s4 =	ssub.s32 $0x0, s20;
	[sflag:s22] =	ssyncset.done $0x0  }
0xa0: {  	[sflag:s22] =	ssyncadd.s32 s4;
	_ =	sdelay $0x1  }
0xa1: {  	s23 =	simm.s32 $0x1B8B  }
0xa2: {  	_ =	swait.ge [sflag:s23], $0x1  }
0xa3: {  	[sflag:s23] =	ssyncset.done $0x0  }
0xa4: {  	s25 =	simm.s32 $0x1B8E;
	s24 =	sld [smem:$0x3FFE];
	[sflag:s23] =	ssyncadd.s32 $0xFFFFFFFF  }
0xa5: {  	s26 =	simm.s32 $execute0_lowered;
	[smem:$0x3FD2] =	sst s25  }
0xa6: {  	s5 =	sshll.u32 s26, $0x1;
	_ =	strace $0x80000046;
	[dreg:$0x1] =	wrdreg $0xFFFFFFFF  }
0xa7: {  	s28 =	simm.s32 $_size_execute0_lowered;
	s3 =	sadd.s32 s3, s5;
	[dreg:$0x0] =	wrdreg $0x0  }
0xa8: {  	s5 =	sshll.u32 s28, $0x1;
	[dreg:$0x2] =	wrdreg s3  }
0xa9: {  	[dreg:$0x3] =	wrdreg s5  }
0xaa: {  	[dreg:$0x4] =	wrdreg $0xC0  }
0xab: {  	_ =	task [dreg:s7], $0x5FFFF  }
0xac: {  	[dreg:$0x1] =	wrdreg $0xFFFFFFFF  }
0xad: {  	[dreg:$0x0] =	wrdreg $0x60  }
0xae: {  	[dreg:$0x2] =	wrdreg s2  }
0xaf: {  	[dreg:$0x3] =	wrdreg s24  }
0xb0: {  	[dreg:$0x4] =	wrdreg $0xB0000  }
0xb1: {  	[dreg:$0x5] =	wrdreg $0x9  }
0xb2: {  	_ =	task.clear_ibuf [dreg:s7], $0x6FFFF;
	_ =	strace $0x90000046  }
0xb3: {  	s29 =	simm.s32 $0x9;
	_ =	strace $0x80000048  }
0xb4: {  	_ =	swait.ge [sflag:s29], $0x1  }
0xb5: {  	[sflag:s29] =	ssyncadd.s32 $0xFFFFFFFF  }
0xb6: {  	_ =	strace $0x90000048  }
0xb7: {  	_ =	sfence  }
0xb8: {  	s30 =	sld [smem:$0x0];
	_ =	sdelay $0x2  }
0xb9: {  	s31 =	sshll.u32 s1, $0xD;
	s1 =	sshrl.u32 s1, $0x2  }
0xba: {  	s3 =	sand.u32 $0x4000, s31;
	s1 =	sadd.s32 s1, s30  }
0xbb: {  	s0 =	sor.u32 s3, s0;
	s1 =	sshll.u32 s1, $0x11  }
0xbc: {  	s0 =	sor.u32 s1, s0  }
0xbd: {  	s0 =	sadd.s32 $0x8F2B, s0  }
0xbe: {  	[sflag:s0] =	ssyncadd.remote.s32 $0x1  }
0xbf: {  	_ =	sfence.sel $0xFFFF  }
0xc0: {  	[dreg:$0x0] =	wrdreg $0xFFFFFFFF;
	(pc) =	sbr.abs _section_cstart, $3  }
0xc1: {  	[dreg:$0x1] =	wrdreg $0xFFFFFFFF  }
0xc2: {  	_ =	task.clear_ibuf [dreg:s7], $0x2FFFF;
	_ =	strace $0x9FFFFFFF  }
0xc3: {  	(tm) =	ssettm $0x7FFFFFFF  }
tec
execute0_lowered:
.L_overlay_start_1:
0x0: {  	(tag) =	ssettag $0x1  }
0x1: {  	s1 =	rddreg [dreg:$0x0]  }
0x2: {  	s0 =	srdreg.scid;
	s2 =	rddreg [dreg:$0x1]  }
0x3: {  	s16 =	stileid.u32;
	s3 =	rddreg [dreg:$0x2];
	s17 =	simm.s32 $0x40  }
0x4: {  	s18 =	simm.s32 $0x5000;
	s20 =	simm.s32 $0x7000;
	s22 =	simm.s32 $0x9000  }
0x5: {  	s23 =	simm.s32 $0x1;
	s28 =	simm.s32 $0x4F80;
	s29 =	simm.s32 $0x4EC0  }
0x6: {  	s30 =	simm.s32 $0x4F40;
	s31 =	simm.s32 $0x4FC0;
	s9 =	smul.u32 $0x2700, s16  }
0x7: {  	s0 =	sand.u32 $0x1, s0;
	s4 =	sshll.u32 s16, $0x1;
	s6 =	smul.u32 $0x4E000, s16  }
0x8: {  	s11 =	sadd.s32 $0x3E800, s2;
	s14 =	sadd.s32 $0x138000, s3;
	p0 =	sne.s32 s16, $0xF  }
0x9: {  	s5 =	sor.u32 s0, s4;
	s4 =	simm.s32 $0x0;
	s25 =	smul.u32 $0x138800, s0  }
0xa: {  	s7 =	ssub.s32 $0x2, s0;
	s0 =	smul.u32 $0x27100, s0;
	s14 =	sshrl.u32 @!p0 s14, $0x3  }
0xb: {  	s5 =	smul.u32 $0xA00, s5;
	[smem:$0x7FF] =	sst s4;
	s24 =	sadd.s32 s9, s2  }
0xc: {  	s8 =	sshrl.u32 s7, $0x1;
	s6 =	sshrl.u32 s6, $0x2;
	_ =	strace $0x80000047  }
0xd: {  	s12 =	ssub.s32 s7, s8;
	s13 =	sadd.s32 s6, s3;
	s6 =	sshll.u32 s16, $0x6  }
0xe: {  	s15 =	sshrl.u32 s25, $0x3;
	s8 =	sadd.s32 $0x3E600, s2;
	s0 =	sadd.s32 s9, s0  }
0xf: {  	s16 =	simm.s32 $0x4;
	s25 =	simm.s32 $0x3;
	s10 =	sadd.s32 s5, s2  }
0x10: {  	s5 =	sadd.s32 $0x17600, s24;
	s7 =	sor.u32 $0x1C04, s6;
	s26 =	sadd.s32 s11, s15  }
0x11: {  	s12 =	smax.u32 s12, $0x1;
	s13 =	sshrl.u32 s13, $0x3;
	s15 =	simm.s32 $0x5  }
0x12: {  	s24 =	simm.s32 $0x2;
	s2 =	simm.s32 $0x0;
	s9 =	sadd.s32 $0x3600, s10  }
0x13: {  	s10 =	sadd.s32 s11, s0;
	s11 =	sadd.s32 $0x27000, s26;
	s26 =	simm.s32 $0x4E40  }
.LBB2_1:
0x14: {  	[spmem:s13], [sflag:s7] =	dma.local [hbm:s5], $0x2700  }
0x15: {  	s0 =	simm.s32 @!p0 $0x4  }
0x16: {  	[spmem:s14], [sflag:s7] =	dma.local @!p0 [hbm:s8], $0x180  }
0x17: {  	_ =	swait.ge @!p0 [sflag:s0], $0x180  }
0x18: {  	[sflag:s0] =	ssyncset.done @!p0 $0x0  }
0x19: {  	[sflag:s0] =	ssyncadd.s32 @!p0 $0xFFFFFE80  }
0x1a: {  	[tilespmem:s4], [sflag:$0x5] =	stream.linear.gather [hbm4b:s9+s4], $0x5000, $0x38;
	[tilespmem:$0x1E8C0] =	vst v63  }
0x1b: {  	_ =	swait.ge [sflag:s15], $0x5000  }
0x1c: {  	[sflag:s15] =	ssyncset.done $0x0  }
0x1d: {  	[sflag:s15] =	ssyncadd.s32 $0xFFFFB000  }
0x1e: {  	_ =	swait.ge [sflag:s16], $0x2700  }
0x1f: {  	[sflag:s16] =	ssyncset.done $0x0  }
0x20: {  	[sflag:s16] =	ssyncadd.s32 $0xFFFFD900  }
0x21: {  	[bflag:$0x0] =	sbarrier.arrive $0xFFFF  }
0x22: {  	[tilespmem:s18], [sflag:$0x1] =	stream.indirect.gather [hbm4b:s1+s17], $0x80, s4, s17, $0xb8;
	[tilespmem:$0x1E8C0] =	vst v63  }
0x23: {  	s21 =	simm.s32 $0x80  }
0x24: {  	[tilespmem:s20], [sflag:$0x2] =	stream.indirect.gather [hbm4b:s1+s17], $0x80, s21, s17, $0xb8;
	[tilespmem:$0x1E8C0] =	vst v63  }
0x25: {  	s19 =	simm.s32 $0x100  }
0x26: {  	[tilespmem:s22], [sflag:$0x3] =	stream.indirect.gather [hbm4b:s1+s17], $0x80, s19, s17, $0xb8;
	[tilespmem:$0x1E8C0] =	vst v63  }
0x27: {  	_ =	swait.ge [sflag:s23], $0x2000  }
0x28: {  	[sflag:s23] =	ssyncset.done $0x0  }
0x29: {  	s21 =	simm.s32 $0x40;
	[sflag:s23] =	ssyncadd.s32 $0xFFFFE000  }
0x2a: {  	[spmem:s3] =	stream.indirect.scatter.add.f32 [tilespmem:s18], [sflag:$0x5], $0x80, s21, s17, $0xb8;
	[tilespmem:$0x1E8C0] =	vst v63  }
0x2b: {  	_ =	swait.ge [sflag:s15], $0x2000  }
0x2c: {  	[sflag:s15] =	ssyncset.done $0x0  }
0x2d: {  	s19 =	simm.s32 $0x180;
	[sflag:s15] =	ssyncadd.s32 $0xFFFFE000  }
0x2e: {  	[tilespmem:s18], [sflag:$0x1] =	stream.indirect.gather [hbm4b:s1+s17], $0x80, s19, s17, $0xb8;
	[tilespmem:$0x1E8C0] =	vst v63  }
0x2f: {  	_ =	swait.ge [sflag:s24], $0x2000  }
0x30: {  	[sflag:s24] =	ssyncset.done $0x0  }
0x31: {  	s21 =	simm.s32 $0xC0;
	[sflag:s24] =	ssyncadd.s32 $0xFFFFE000  }
0x32: {  	[spmem:s3] =	stream.indirect.scatter.add.f32 [tilespmem:s20], [sflag:$0x5], $0x80, s21, s17, $0xb8;
	[tilespmem:$0x1E8C0] =	vst v63  }
0x33: {  	_ =	swait.ge [sflag:s15], $0x2000  }
0x34: {  	[sflag:s15] =	ssyncset.done $0x0  }
0x35: {  	s19 =	simm.s32 $0x200;
	[sflag:s15] =	ssyncadd.s32 $0xFFFFE000  }
0x36: {  	[tilespmem:s20], [sflag:$0x2] =	stream.indirect.gather [hbm4b:s1+s17], $0x80, s19, s17, $0xb8;
	[tilespmem:$0x1E8C0] =	vst v63  }
0x37: {  	_ =	swait.ge [sflag:s25], $0x2000  }
0x38: {  	[sflag:s25] =	ssyncset.done $0x0  }
0x39: {  	s21 =	simm.s32 $0x140;
	[sflag:s25] =	ssyncadd.s32 $0xFFFFE000  }
0x3a: {  	[spmem:s3] =	stream.indirect.scatter.add.f32 [tilespmem:s22], [sflag:$0x5], $0x80, s21, s17, $0xb8;
	[tilespmem:$0x1E8C0] =	vst v63  }
0x3b: {  	_ =	swait.ge [sflag:s15], $0x2000  }
0x3c: {  	[sflag:s15] =	ssyncset.done $0x0  }
0x3d: {  	s0 =	simm.s32 $0x600;
	s19 =	simm.s32 $0x280;
	[sflag:s15] =	ssyncadd.s32 $0xFFFFE000  }
.LBB2_2:
0x3e: {  	[tilespmem:s22], [sflag:$0x3] =	stream.indirect.gather [hbm4b:s1+s17], $0x80, s19, s17, $0xb8;
	[tilespmem:$0x1E8C0] =	vst v63  }
0x3f: {  	s19 =	smov.u32 s0  }
0x40: {  	p1 =	sne.s32 s0, $0x13200;
	s0 =	sadd.s32 $0x600, s0;
	_ =	swait.ge [sflag:s23], $0x2000  }
0x41: {  	s19 =	sshra.s32 s19, $0x2;
	[sflag:s23] =	ssyncset.done $0x0  }
0x42: {  	s21 =	sadd.s32 $0x40, s19;
	[sflag:s23] =	ssyncadd.s32 $0xFFFFE000  }
0x43: {  	[spmem:s3] =	stream.indirect.scatter.add.f32 [tilespmem:s18], [sflag:$0x5], $0x80, s21, s17, $0xb8;
	[tilespmem:$0x1E8C0] =	vst v63  }
0x44: {  	_ =	swait.ge [sflag:s15], $0x2000  }
0x45: {  	[sflag:s15] =	ssyncset.done $0x0  }
0x46: {  	s21 =	sadd.s32 $0x180, s19;
	[sflag:s15] =	ssyncadd.s32 $0xFFFFE000  }
0x47: {  	[tilespmem:s18], [sflag:$0x1] =	stream.indirect.gather [hbm4b:s1+s17], $0x80, s21, s17, $0xb8;
	[tilespmem:$0x1E8C0] =	vst v63  }
0x48: {  	_ =	swait.ge [sflag:s24], $0x2000  }
0x49: {  	[sflag:s24] =	ssyncset.done $0x0  }
0x4a: {  	s21 =	sadd.s32 $0xC0, s19;
	[sflag:s24] =	ssyncadd.s32 $0xFFFFE000  }
0x4b: {  	[spmem:s3] =	stream.indirect.scatter.add.f32 [tilespmem:s20], [sflag:$0x5], $0x80, s21, s17, $0xb8;
	[tilespmem:$0x1E8C0] =	vst v63  }
0x4c: {  	_ =	swait.ge [sflag:s15], $0x2000  }
0x4d: {  	[sflag:s15] =	ssyncset.done $0x0  }
0x4e: {  	s21 =	sadd.s32 $0x200, s19;
	[sflag:s15] =	ssyncadd.s32 $0xFFFFE000  }
0x4f: {  	[tilespmem:s20], [sflag:$0x2] =	stream.indirect.gather [hbm4b:s1+s17], $0x80, s21, s17, $0xb8;
	[tilespmem:$0x1E8C0] =	vst v63  }
0x50: {  	_ =	swait.ge [sflag:s25], $0x2000  }
0x51: {  	[sflag:s25] =	ssyncset.done $0x0  }
.Ltmp0:
0x52: {  	s21 =	sadd.s32 $0x140, s19;
	[sflag:s25] =	ssyncadd.s32 $0xFFFFE000;
	(pc) =	sbr.rel @p1 .LBB2_2-.Ltmp0, $4  }
0x53: {  	[spmem:s3] =	stream.indirect.scatter.add.f32 [tilespmem:s22], [sflag:$0x5], $0x80, s21, s17, $0xb8;
	[tilespmem:$0x1E8C0] =	vst v63  }
0x54: {  	_ =	swait.ge [sflag:s15], $0x2000  }
0x55: {  	[sflag:s15] =	ssyncset.done $0x0  }
0x56: {  	s19 =	sadd.s32 $0x280, s19;
	[sflag:s15] =	ssyncadd.s32 $0xFFFFE000  }
0x57: {  	[tilespmem:s22], [sflag:$0x3] =	stream.indirect.gather [hbm4b:s1+s17], $0x80, s19, s17, $0xb8;
	[tilespmem:$0x1E8C0] =	vst v63  }
0x58: {  	_ =	swait.ge [sflag:s23], $0x2000  }
0x59: {  	[sflag:s23] =	ssyncset.done $0x0  }
0x5a: {  	[sflag:s23] =	ssyncadd.s32 $0xFFFFE000  }
0x5b: {  	[spmem:s3] =	stream.indirect.scatter.add.f32 [tilespmem:s18], [sflag:$0x5], $0x80, s26, s17, $0xb8;
	[tilespmem:$0x1E8C0] =	vst v63  }
0x5c: {  	_ =	swait.ge [sflag:s15], $0x2000  }
0x5d: {  	[sflag:s15] =	ssyncset.done $0x0  }
0x5e: {  	[sflag:s15] =	ssyncadd.s32 $0xFFFFE000  }
0x5f: {  	[tilespmem:s18], [sflag:$0x1] =	stream.indirect.gather [hbm4b:s1+s17], $0x80, s28, s17, $0xb8;
	[tilespmem:$0x1E8C0] =	vst v63  }
0x60: {  	_ =	swait.ge [sflag:s24], $0x2000  }
0x61: {  	[sflag:s24] =	ssyncset.done $0x0  }
0x62: {  	[sflag:s24] =	ssyncadd.s32 $0xFFFFE000  }
0x63: {  	[spmem:s3] =	stream.indirect.scatter.add.f32 [tilespmem:s20], [sflag:$0x5], $0x80, s29, s17, $0xb8;
	[tilespmem:$0x1E8C0] =	vst v63  }
0x64: {  	_ =	swait.ge [sflag:s15], $0x2000  }
0x65: {  	[sflag:s15] =	ssyncset.done $0x0  }
0x66: {  	[sflag:s15] =	ssyncadd.s32 $0xFFFFE000  }
0x67: {  	_ =	swait.ge [sflag:s25], $0x2000  }
0x68: {  	[sflag:s25] =	ssyncset.done $0x0  }
0x69: {  	[sflag:s25] =	ssyncadd.s32 $0xFFFFE000  }
0x6a: {  	[spmem:s3] =	stream.indirect.scatter.add.f32 [tilespmem:s22], [sflag:$0x5], $0x80, s30, s17, $0xb8;
	[tilespmem:$0x1E8C0] =	vst v63  }
0x6b: {  	_ =	swait.ge [sflag:s15], $0x2000  }
0x6c: {  	[sflag:s15] =	ssyncset.done $0x0  }
0x6d: {  	[sflag:s15] =	ssyncadd.s32 $0xFFFFE000  }
0x6e: {  	_ =	swait.ge [sflag:s23], $0x2000  }
0x6f: {  	[sflag:s23] =	ssyncset.done $0x0  }
0x70: {  	[sflag:s23] =	ssyncadd.s32 $0xFFFFE000  }
0x71: {  	[spmem:s3] =	stream.indirect.scatter.add.f32 [tilespmem:s18], [sflag:$0x5], $0x80, s31, s17, $0xb8;
	[tilespmem:$0x1E8C0] =	vst v63  }
0x72: {  	_ =	swait.ge [sflag:s15], $0x2000  }
0x73: {  	[sflag:s15] =	ssyncset.done $0x0  }
0x74: {  	[sflag:s15] =	ssyncadd.s32 $0xFFFFE000  }
0x75: {  	s0 =	sor.u32 $0x1C05, s6;
	[bflag:$0x0] =	sbarrier.arrive $0xFFFF  }
0x76: {  	[hbm:s10], [sflag:s0] =	dma.local [spmem:s13], $0x2700  }
0x77: {  	_ =	swait.ge [sflag:s15], $0x2700  }
0x78: {  	s2 =	sadd.s32 $0x1, s2;
	[sflag:s15] =	ssyncset.done $0x0  }
0x79: {  	p1 =	sne.s32 s2, s12;
	[sflag:s15] =	ssyncadd.s32 $0xFFFFD900  }
0x7a: {  	[hbm:s11], [sflag:s0] =	dma.local @!p0 [spmem:s14], $0x100  }
.Ltmp1:
0x7b: {  	_ = 	snop;
	(pc) =	sbr.rel @p1 .LBB2_1-.Ltmp1, $4  }
0x7c: {  	s0 =	simm.s32 @!p0 $0x5  }
0x7d: {  	_ =	swait.ge @!p0 [sflag:s0], $0x100  }
0x7e: {  	[sflag:s0] =	ssyncset.done @!p0 $0x0  }
0x7f: {  	[sflag:s0] =	ssyncadd.s32 @!p0 $0xFFFFFF00  }
0x80: {  	_ =	sfence.sel $0x180000  }
0x81: {  	[bflag:$0x0] =	sbarrier.arrive $0xFFFF  }
0x82: {  	_ =	strace $0x90000047  }
0x83: {  	s0 =	stileid.u32;
	[bflag:$0x2] =	sbarrier.arrive $0xFFFF  }
0x84: {  	p0 =	sne.s32 s0, $0x0;
	s0 =	rddreg [dreg:$0x3]  }
0x85: {  	s0 =	sadd.s32 @!p0 $0x100000, s0  }
0x86: {  	[sflag:s0] =	ssyncadd.tile.s32 @!p0 $0x1;
	_ =	shalt  }
.Lfunc_end2:
_tile_overlayer_lowered:
.L_overlay_start_2:
0x87: {  	(tag) =	ssettag $0x2  }
0x88: {  	s0 =	rddreg [dreg:$0x0];
	s2 =	stileid.u32  }
0x89: {  	s1 =	rddreg [dreg:$0x1];
	p0 =	sne.s32 s2, $0x0  }
0x8a: {  	s3 =	rddreg [dreg:$0x2];
	[bflag:$0x3] =	sbarrier.arrive $0xFFFF;
	s2 =	simm.s32 @!p0 $0x1C05  }
0x8b: {  	[timem:s3], [sflag:s2] =	dma.local @!p0 [hbm:s0], s1  }
0x8c: {  	s0 =	simm.s32 @!p0 $0x5  }
0x8d: {  	_ =	swait.ge @!p0 [sflag:s0], s1  }
0x8e: {  	s1 =	ssub.s32 @!p0 $0x0, s1;
	[sflag:s0] =	ssyncset.done @!p0 $0x0  }
0x8f: {  	[sflag:s0] =	ssyncadd.s32 @!p0 s1  }
0x90: {  	[bflag:$0x3] =	sbarrier.arrive $0xFFFF  }
0x91: {  	_ =	shalt  }

</sc_bundles>
